<compile_context>
chip_gen: v7x
topology: tpu7x:2x2x1
jax: 0.10.2.dev20260603
libtpu: 0.0.44.dev20260713+nightly
codegen_flags: <defaults>
</compile_context>

<pallas_src>
import functools

import jax
import jax.numpy as jnp
from jax import lax
from jax.experimental import pallas as pl
from jax.experimental.pallas import tpu as pltpu
from jax.experimental.pallas import tpu_sc as plsc

N = 10000
E = 160000
H = 128
NH = 8
DH = H // NH
L = 3
NRBF = 50
MAXZ = 16
CUT_HI = 5.0

NB = 20
SEGB = 8192
NW = 32
CH = 5008
EPAD = 160256
EALLOC = 165120

_MESH = plsc.VectorSubcoreMesh(
    core_axis_name="c", subcore_axis_name="s", num_cores=2, num_subcores=16)


def _cv(ref, i):
    return ref[pl.ds(i, 16)][0]


def _silu(x):
    return x * jax.nn.sigmoid(x)


def _cosine_cutoff(d):
    return 0.5 * (jnp.cos(d * jnp.pi / CUT_HI) + 1.0) * (d < CUT_HI)


def _expnorm_rbf(d, means, betas):
    return jnp.exp(-betas[None, :] * (jnp.exp(-d[:, None]) - means[None, :]) ** 2)


def _prep_body(srce_hbm, dste_hbm, posf_hbm, z_hbm, d2_hbm, seg_hbm, cnt_hbm,
               posf_v, z_v, src_v, dst_v, d2_v, segv_v, cw_v, sm):
    c = lax.axis_index("c")
    s = lax.axis_index("s")
    w = s * 2 + c
    start = w * CH
    nume = jnp.where(w == NW - 1, E - (NW - 1) * CH, CH)
    nv = nume // 16

    pltpu.sync_copy(posf_hbm, posf_v)
    pltpu.sync_copy(z_hbm, z_v)
    pltpu.sync_copy(srce_hbm.at[pl.ds(start, CH)], src_v)
    pltpu.sync_copy(dste_hbm.at[pl.ds(start, CH)], dst_v)

    lanes = lax.iota(jnp.int32, 16)

    def vec_body(i, carry):
        cv0, cv1 = carry
        srcv = src_v[pl.ds(i * 16, 16)]
        dstv = dst_v[pl.ds(i * 16, 16)]
        s3 = srcv * 3
        t3 = dstv * 3
        dx = plsc.load_gather(posf_v, [s3]) - plsc.load_gather(posf_v, [t3])
        dy = plsc.load_gather(posf_v, [s3 + 1]) - plsc.load_gather(posf_v, [t3 + 1])
        dz = plsc.load_gather(posf_v, [s3 + 2]) - plsc.load_gather(posf_v, [t3 + 2])
        d2 = dx * dx + dy * dy + dz * dz
        zsv = plsc.load_gather(z_v, [srcv])
        d2_v[pl.ds(i * 16, 16)] = d2
        segv_v[pl.ds(i * 16, 16)] = dstv * MAXZ + zsv
        bv = lax.shift_right_logical(dstv, 9)
        for b in range(16):
            cv0 = cv0 + jnp.sum((bv == b).astype(jnp.int32)) * (lanes == b).astype(jnp.int32)
        for b in range(16, NB):
            cv1 = cv1 + jnp.sum((bv == b).astype(jnp.int32)) * (lanes == (b - 16)).astype(jnp.int32)
        return cv0, cv1

    zv16 = jnp.zeros((16,), jnp.int32)
    cv0, cv1 = lax.fori_loop(0, nv, vec_body, (zv16, zv16))
    pad8 = lambda v: lax.shift_left(lax.shift_right_logical(v + 7, 3), 3)
    cw_v[pl.ds(0, 16)] = pad8(cv0)
    cw_v[pl.ds(16, 16)] = jnp.where(lanes < NB - 16, pad8(cv1), 0)
    pltpu.sync_copy(cw_v, cnt_hbm.at[w])
    pltpu.sync_copy(d2_v, d2_hbm.at[pl.ds(start, CH)])
    pltpu.sync_copy(segv_v, seg_hbm.at[pl.ds(start, CH)])


@jax.jit
def _sc_prep(srcp, dstp, posf, z):
    return pl.kernel(
        _prep_body,
        out_type=(
            jax.ShapeDtypeStruct((EPAD,), jnp.float32),
            jax.ShapeDtypeStruct((EPAD,), jnp.int32),
            jax.ShapeDtypeStruct((NW, 32), jnp.int32),
        ),
        mesh=_MESH,
        scratch_types=[
            pltpu.VMEM((N * 3,), jnp.float32),
            pltpu.VMEM((N,), jnp.int32),
            pltpu.VMEM((CH,), jnp.int32),
            pltpu.VMEM((CH,), jnp.int32),
            pltpu.VMEM((CH,), jnp.float32),
            pltpu.VMEM((CH,), jnp.int32),
            pltpu.VMEM((32,), jnp.int32),
            pltpu.SMEM((32,), jnp.int32),
        ],
        compiler_params=pltpu.CompilerParams(needs_layout_passes=False),
    )(srcp, dstp, posf, z)


def _place_body(srce_hbm, dste_hbm, sege_hbm, cnts_hbm,
                srcs_hbm, segs_hbm, eids_hbm, cntp_hbm,
                src_v, dst_v, seg_v, bsrc_v, bseg_v, beid_v, cnts_v, cnt_loc,
                sm):
    c = lax.axis_index("c")
    s = lax.axis_index("s")
    w = s * 2 + c
    start = w * CH
    nume = jnp.where(w == NW - 1, E - (NW - 1) * CH, CH)
    nv = nume // 16
    lanes = lax.iota(jnp.int32, 16)

    pltpu.sync_copy(srce_hbm.at[pl.ds(start, CH)], src_v)
    pltpu.sync_copy(dste_hbm.at[pl.ds(start, CH)], dst_v)
    pltpu.sync_copy(sege_hbm.at[pl.ds(start, CH)], seg_v)
    pltpu.sync_copy(cnts_hbm, cnts_v.at[pl.ds(0, NW * 32)])

    loc = jnp.int32(0)
    gb = jnp.int32(0)
    for b in range(NB):
        sm[b] = loc
        sm[40 + b] = loc
        loc = loc + _cv(cnts_v, w * 32 + b)
        part = lax.fori_loop(0, w, lambda wp, a: a + _cv(cnts_v, wp * 32 + b), jnp.int32(0))
        tot = lax.fori_loop(0, NW, lambda wp, a: a + _cv(cnts_v, wp * 32 + b), jnp.int32(0))
        sm[20 + b] = gb + part
        gb = gb + tot

    def vec_body(i, _):
        srcv = src_v[pl.ds(i * 16, 16)]
        dstv = dst_v[pl.ds(i * 16, 16)]
        segv = seg_v[pl.ds(i * 16, 16)]
        eidv = start + i * 16 + lanes
        bv = lax.shift_right_logical(dstv, 9)
        for b in range(NB):
            m = bv == b
            off = sm[40 + b]
            plsc.store_compressed(bsrc_v.at[pl.ds(off, 16)], srcv, mask=m)
            plsc.store_compressed(bseg_v.at[pl.ds(off, 16)], segv, mask=m)
            plsc.store_compressed(beid_v.at[pl.ds(off, 16)], eidv, mask=m)
            sm[40 + b] = off + jnp.sum(m.astype(jnp.int32))
        return _

    lax.fori_loop(0, nv, vec_body, None)

    z16 = jnp.zeros((16,), jnp.int32)
    for b in range(NB):
        cur = sm[40 + b]
        end = sm[b] + _cv(cnts_v, w * 32 + b)
        m = lanes < (end - cur)
        plsc.store_compressed(bsrc_v.at[pl.ds(cur, 16)], z16, mask=m)
        plsc.store_compressed(bseg_v.at[pl.ds(cur, 16)],
                              jnp.full((16,), b * SEGB + SEGB, jnp.int32), mask=m)
        plsc.store_compressed(beid_v.at[pl.ds(cur, 16)], z16, mask=m)

    for b in range(NB):
        lo = sm[b]
        gbase = sm[20 + b]
        pcnt = _cv(cnts_v, w * 32 + b)
        n128 = lax.shift_right_logical(pcnt, 7)
        n8 = lax.shift_right_logical(pcnt - n128 * 128, 3)

        def big(j, _, lo=lo, gbase=gbase):
            go = pl.multiple_of(gbase + j * 128, 8)
            lo8 = pl.multiple_of(lo + j * 128, 8)
            pltpu.sync_copy(bsrc_v.at[pl.ds(lo8, 128)], srcs_hbm.at[pl.ds(go, 128)])
            pltpu.sync_copy(bseg_v.at[pl.ds(lo8, 128)], segs_hbm.at[pl.ds(go, 128)])
            pltpu.sync_copy(beid_v.at[pl.ds(lo8, 128)], eids_hbm.at[pl.ds(go, 128)])
            return _

        def small(j, _, lo=lo, gbase=gbase, n128=n128):
            o = n128 * 128 + j * 8
            go = pl.multiple_of(gbase + o, 8)
            lo8 = pl.multiple_of(lo + o, 8)
            pltpu.sync_copy(bsrc_v.at[pl.ds(lo8, 8)], srcs_hbm.at[pl.ds(go, 8)])
            pltpu.sync_copy(bseg_v.at[pl.ds(lo8, 8)], segs_hbm.at[pl.ds(go, 8)])
            pltpu.sync_copy(beid_v.at[pl.ds(lo8, 8)], eids_hbm.at[pl.ds(go, 8)])
            return _

        lax.fori_loop(0, n128, big, None)
        lax.fori_loop(0, n8, small, None)

    ones16 = jnp.ones((16,), jnp.int32)
    for b in range(NB):
        lo = sm[b]
        pcnt = _cv(cnts_v, w * 32 + b)

        def zero(j, _):
            cnt_loc[pl.ds(j * 16, 16)] = z16
            return _

        lax.fori_loop(0, 513, zero, None)

        def count(j, _, lo=lo, pcnt=pcnt):
            sv = bseg_v[pl.ds(lo + j * 16, 16)]
            idx = sv - b * SEGB
            m = lanes < (pcnt - j * 16)
            plsc.addupdate_scatter(cnt_loc, [idx], ones16, mask=m)
            return _

        lax.fori_loop(0, lax.shift_right_logical(pcnt + 15, 4), count, None)
        pltpu.sync_copy(cnt_loc, cntp_hbm.at[pl.ds(pl.multiple_of(w * (NB * 8208) + b * 8208, 8), 8208)])


@jax.jit
def _sc_place(srcp, dstp, segp, cnts):
    return pl.kernel(
        _place_body,
        out_type=(
            jax.ShapeDtypeStruct((EALLOC,), jnp.int32),
            jax.ShapeDtypeStruct((EALLOC,), jnp.int32),
            jax.ShapeDtypeStruct((EALLOC,), jnp.int32),
            jax.ShapeDtypeStruct((NW * NB * 8208,), jnp.int32),
        ),
        mesh=_MESH,
        scratch_types=[
            pltpu.VMEM((CH,), jnp.int32),
            pltpu.VMEM((CH,), jnp.int32),
            pltpu.VMEM((CH,), jnp.int32),
            pltpu.VMEM((5184,), jnp.int32),
            pltpu.VMEM((5184,), jnp.int32),
            pltpu.VMEM((5184,), jnp.int32),
            pltpu.VMEM((NW * 32 + 16,), jnp.int32),
            pltpu.VMEM((8208,), jnp.int32),
            pltpu.SMEM((64,), jnp.int32),
        ],
        compiler_params=pltpu.CompilerParams(needs_layout_passes=False),
    )(srcp, dstp, segp, cnts)


def _make_segsum(with_xc):
    def body(*refs):
        if with_xc:
            (wf_hbm, xc_hbm, srcs_hbm, segs_hbm, eids_hbm, cnts_hbm, y_hbm,
             acc_sh, zb_v, rows_v, xcr_v, eid_v, srci_v, idx_v, cnts_v, sm, sem) = refs
        else:
            (wf_hbm, srcs_hbm, segs_hbm, eids_hbm, cnts_hbm, y_hbm,
             acc_sh, zb_v, rows_v, eid_v, srci_v, idx_v, cnts_v, sm, sem) = refs
        c = lax.axis_index("c")
        s = lax.axis_index("s")
        lanes = lax.iota(jnp.int32, 16)
        pltpu.sync_copy(cnts_hbm, cnts_v.at[pl.ds(0, NW * 32)])
        gb = jnp.int32(0)
        for b in range(NB):
            sm[b] = gb
            gb = gb + lax.fori_loop(0, NW, lambda wp, a: a + _cv(cnts_v, wp * 32 + b), jnp.int32(0))
        sm[NB] = gb

        zf = jnp.zeros((16,), jnp.float32)

        def zrow(i, _):
            for cc in range(8):
                zb_v[i, pl.ds(cc * 16, 16)] = zf
            return _

        lax.fori_loop(0, 128, zrow, None)

        for j in range(NB // 2):
            b = 2 * j + c
            A = sm[b]
            Bnd = sm[b + 1]
            ln = Bnd - A
            for k in range(4):
                pltpu.sync_copy(zb_v, acc_sh.at[pl.ds(s * 512 + k * 128, 128)])
            plsc.subcore_barrier()
            nch = lax.shift_right_logical(ln + 127, 7)
            my = lax.shift_right_logical(nch - s + 15, 4)

            def chunk(jj, _, A=A, Bnd=Bnd, b=b):
                st = pl.multiple_of(A + (s + jj * 16) * 128, 8)
                pltpu.sync_copy(eids_hbm.at[pl.ds(st, 128)], eid_v)
                pltpu.sync_copy(segs_hbm.at[pl.ds(st, 128)], idx_v)
                if with_xc:
                    pltpu.sync_copy(srcs_hbm.at[pl.ds(st, 128)], srci_v)
                for t in range(8):
                    pos = st + t * 16 + lanes
                    ok = pos < Bnd
                    ev = eid_v[pl.ds(t * 16, 16)]
                    eid_v[pl.ds(t * 16, 16)] = jnp.where(ok, ev, 0)
                    sv = idx_v[pl.ds(t * 16, 16)]
                    idx_v[pl.ds(t * 16, 16)] = jnp.where(ok, sv - b * SEGB, SEGB)
                    if with_xc:
                        rv = srci_v[pl.ds(t * 16, 16)]
                        srci_v[pl.ds(t * 16, 16)] = jnp.where(ok, rv, 0)
                pltpu.async_copy(wf_hbm.at[eid_v], rows_v, sem).wait()
                if with_xc:
                    pltpu.async_copy(xc_hbm.at[srci_v], xcr_v, sem).wait()

                    def mul(r, _):
                        for cc in range(8):
                            rows_v[r, pl.ds(cc * 16, 16)] = (
                                rows_v[r, pl.ds(cc * 16, 16)] * xcr_v[r, pl.ds(cc * 16, 16)])
                        return _

                    lax.fori_loop(0, 128, mul, None, unroll=4)
                pltpu.sync_copy(rows_v, acc_sh.at[idx_v], add=True)
                return _

            lax.fori_loop(0, my, chunk, None)
            plsc.subcore_barrier()
            for k in range(4):
                pltpu.sync_copy(acc_sh.at[pl.ds(s * 512 + k * 128, 128)],
                                y_hbm.at[pl.ds(pl.multiple_of(b * SEGB + s * 512 + k * 128, 8), 128)])
            plsc.subcore_barrier()

    return body


def _segsum_call(with_xc):
    scratch = [
        pltpu.VMEM_SHARED((SEGB + 128, H), jnp.float32),
        pltpu.VMEM((128, H), jnp.float32),
        pltpu.VMEM((128, H), jnp.float32),
    ]
    if with_xc:
        scratch.append(pltpu.VMEM((128, H), jnp.float32))
    scratch += [
        pltpu.VMEM((128,), jnp.int32),
        pltpu.VMEM((128,), jnp.int32),
        pltpu.VMEM((128,), jnp.int32),
        pltpu.VMEM((NW * 32 + 16,), jnp.int32),
        pltpu.SMEM((64,), jnp.int32),
        pltpu.SemaphoreType.DMA,
    ]
    return functools.partial(
        pl.kernel,
        _make_segsum(with_xc),
        out_type=jax.ShapeDtypeStruct((NB * SEGB, H), jnp.float32),
        mesh=_MESH,
        scratch_types=scratch,
        compiler_params=pltpu.CompilerParams(needs_layout_passes=False),
    )()


@jax.jit
def _sc_segsum_plain(wf, srcs, segs, eids, cnts):
    return _segsum_call(False)(wf, srcs, segs, eids, cnts)


@jax.jit
def _sc_segsum_mul(wf, xc, srcs, segs, eids, cnts):
    return _segsum_call(True)(wf, xc, srcs, segs, eids, cnts)


def _edge_dense_body(d2_ref, means_ref, betas_ref, dproj_ref, dprojb_ref,
                     f1_ref, f1b_ref, f2_ref, f2b_ref,
                     wn_ref, wf0_ref, wf1_ref, wf2_ref):
    d2 = d2_ref[...].reshape(1024)
    d = jnp.sqrt(d2 + 1e-12)
    rbf = jnp.exp(-betas_ref[0][None, :] * (jnp.exp(-d)[:, None] - means_ref[0][None, :]) ** 2)
    Cc = (0.5 * (jnp.cos(d * (jnp.pi / CUT_HI)) + 1.0) * (d < CUT_HI))[:, None]
    wn_ref[...] = (jnp.dot(rbf, dproj_ref[...], preferred_element_type=jnp.float32)
                   + dprojb_ref[0][None, :]) * Cc
    for l, out_ref in enumerate((wf0_ref, wf1_ref, wf2_ref)):
        h1 = _silu(jnp.dot(rbf, f1_ref[l], preferred_element_type=jnp.float32) + f1b_ref[l][None, :])
        out_ref[...] = (jnp.dot(h1, f2_ref[l], preferred_element_type=jnp.float32)
                        + f2b_ref[l][None, :]) * Cc


@jax.jit
def _tc_edge_dense(d2p2, means, betas, dproj, dprojb, f1, f1b, f2, f2b):
    eo = jax.ShapeDtypeStruct((E, H), jnp.float32)
    full = lambda *shape: pl.BlockSpec(shape, lambda i: (0,) * len(shape))
    return pl.pallas_call(
        _edge_dense_body,
        grid=(157,),
        in_specs=[
            pl.BlockSpec((8, 128), lambda i: (i, 0)),
            full(1, NRBF), full(1, NRBF), full(NRBF, H), full(1, H),
            full(L, NRBF, H), full(L, H), full(L, H, H), full(L, H),
        ],
        out_specs=[pl.BlockSpec((1024, H), lambda i: (i, 0))] * 4,
        out_shape=(eo, eo, eo, eo),
    )(d2p2, means, betas, dproj, dprojb, f1, f1b, f2, f2b)


def _ne_body(z_ref, cntp_ref, wt_ref, emb_ref, ne_emb_ref, comb_ref, combb_ref,
             conv0_ref, x_ref, mask_ref, xc_ref):
    zb = z_ref[...]
    oh = (zb == lax.broadcasted_iota(jnp.int32, (1, MAXZ), 1)).astype(jnp.float32)
    xe = jnp.dot(oh, emb_ref[...], preferred_element_type=jnp.float32)
    wtb = wt_ref[...].reshape(128, MAXZ, H)
    agg = jnp.sum(wtb * ne_emb_ref[...][None, :, :], axis=1)
    x = (jnp.dot(xe, comb_ref[0:H, :], preferred_element_type=jnp.float32)
         + jnp.dot(agg, comb_ref[H:, :], preferred_element_type=jnp.float32)
         + combb_ref[0][None, :])
    x_ref[...] = x
    cnt = jnp.sum(cntp_ref[...], axis=0)[0]
    mask_ref[...] = (cnt > 0).astype(jnp.float32)
    xc_ref[...] = jnp.dot(x, conv0_ref[...], preferred_element_type=jnp.float32)


@jax.jit
def _tc_ne(z2, cntp4, wt, emb, ne_emb, comb, combb, conv0):
    full = lambda *shape: pl.BlockSpec(shape, lambda i: (0,) * len(shape))
    return pl.pallas_call(
        _ne_body,
        grid=(79,),
        in_specs=[
            pl.BlockSpec((128, 1), lambda i: (i, 0)),
            pl.BlockSpec((NW, 1, 128, MAXZ), lambda i: (0, i // 4, i % 4, 0)),
            pl.BlockSpec((2048, H), lambda i: (i, 0)),
            full(MAXZ, H), full(MAXZ, H), full(2 * H, H), full(1, H), full(H, H),
        ],
        out_specs=[
            pl.BlockSpec((128, H), lambda i: (i, 0)),
            pl.BlockSpec((128, MAXZ), lambda i: (i, 0)),
            pl.BlockSpec((128, H), lambda i: (i, 0)),
        ],
        out_shape=(
            jax.ShapeDtypeStruct((10112, H), jnp.float32),
            jax.ShapeDtypeStruct((10112, MAXZ), jnp.float32),
            jax.ShapeDtypeStruct((10112, H), jnp.float32),
        ),
    )(z2, cntp4, wt, emb, ne_emb, comb, combb, conv0)


def _make_attn_body(has_next):
    def body(*refs):
        if has_next:
            (y_ref, x_ref, mask_ref, qw, qb, kw, kb, vw, vb, ow, ob,
             blkw, blkb, convw, xo_ref, xco_ref) = refs
        else:
            (y_ref, x_ref, mask_ref, qw, qb, kw, kb, vw, vb, ow, ob,
             blkw, blkb, xo_ref) = refs
        yb = y_ref[...]
        q = jnp.dot(yb, qw[...], preferred_element_type=jnp.float32) + qb[0][None, :]
        k = jnp.dot(yb, kw[...], preferred_element_type=jnp.float32) + kb[0][None, :]
        v = jnp.dot(yb, vw[...], preferred_element_type=jnp.float32) + vb[0][None, :]
        maskb = mask_ref[...]
        q3 = q.reshape(128, MAXZ, H)
        k3 = k.reshape(128, MAXZ, H)
        v3 = v.reshape(128, MAXZ, H)
        colh = lax.broadcasted_iota(jnp.int32, (H, NH), 0) // DH
        rowh = lax.broadcasted_iota(jnp.int32, (H, NH), 1)
        bd = (colh == rowh).astype(jnp.float32)
        hid = lax.broadcasted_iota(jnp.int32, (NH, H), 0)
        cid = lax.broadcasted_iota(jnp.int32, (NH, H), 1)
        bdt = (cid // MAXZ == hid).astype(jnp.float32)
        S = jnp.zeros((128 * MAXZ, H), jnp.float32)
        for kk in range(MAXZ):
            t = (q3 * k3[:, kk, :][:, None, :]).reshape(128 * MAXZ, H)
            sk = jnp.dot(t, bd, preferred_element_type=jnp.float32)
            sel = (cid == hid * MAXZ + kk).astype(jnp.float32)
            S = S + jnp.dot(sk, sel, preferred_element_type=jnp.float32)
        maskcol = jnp.concatenate([maskb] * NH, axis=1)
        m2048 = jnp.broadcast_to(maskcol[:, None, :], (128, MAXZ, H)).reshape(128 * MAXZ, H)
        S = jnp.where(m2048 > 0, S, jnp.float32(-1e9))
        P3 = S.reshape(128 * MAXZ, NH, MAXZ)
        P3 = P3 - jnp.max(P3, axis=-1, keepdims=True)
        P3 = jnp.exp(P3)
        P3 = P3 / jnp.sum(P3, axis=-1, keepdims=True)
        out = jnp.zeros((128 * MAXZ, H), jnp.float32)
        for kk in range(MAXZ):
            pk = P3[:, :, kk]
            pk128 = jnp.dot(pk, bdt, preferred_element_type=jnp.float32)
            vkb = jnp.broadcast_to(v3[:, kk, :][:, None, :], (128, MAXZ, H)).reshape(128 * MAXZ, H)
            out = out + pk128 * vkb
        out = jnp.dot(out, ow[...], preferred_element_type=jnp.float32) + ob[0][None, :]
        out = out.reshape(128, MAXZ, H) * maskb[:, :, None]
        yn = _silu(jnp.sum(out, axis=1))
        xn = x_ref[...] + jnp.dot(yn, blkw[...], preferred_element_type=jnp.float32) + blkb[0][None, :]
        xo_ref[...] = xn
        if has_next:
            xco_ref[...] = jnp.dot(xn, convw[...], preferred_element_type=jnp.float32)
    return body


def _tc_attn(y, x, maskf, qw, qb, kw, kb, vw, vb, ow, ob, blkw, blkb, convw):
    has_next = convw is not None
    full = lambda *shape: pl.BlockSpec(shape, lambda i: (0,) * len(shape))
    w128 = full(H, H)
    b128 = full(1, H)
    in_specs = [
        pl.BlockSpec((2048, H), lambda i: (i, 0)),
        pl.BlockSpec((128, H), lambda i: (i, 0)),
        pl.BlockSpec((128, MAXZ), lambda i: (i, 0)),
        w128, b128, w128, b128, w128, b128, w128, b128, w128, b128,
    ]
    outs = [pl.BlockSpec((128, H), lambda i: (i, 0))]
    out_shape = [jax.ShapeDtypeStruct((10112, H), jnp.float32)]
    args = [y, x, maskf, qw, qb, kw, kb, vw, vb, ow, ob, blkw, blkb]
    if has_next:
        in_specs.append(w128)
        outs.append(pl.BlockSpec((128, H), lambda i: (i, 0)))
        out_shape.append(jax.ShapeDtypeStruct((10112, H), jnp.float32))
        args.append(convw)
    return pl.pallas_call(
        _make_attn_body(has_next),
        grid=(79,),
        in_specs=in_specs,
        out_specs=outs,
        out_shape=tuple(out_shape),
        compiler_params=pltpu.CompilerParams(vmem_limit_bytes=100 * 1024 * 1024),
    )(*args)


def kernel(z, pos, edge_index, emb, ne_emb, ne_dproj_w, ne_dproj_b, ne_comb_w, ne_comb_b, rbf_means, rbf_betas, conv_lin1_w, filt1_w, filt1_b, filt2_w, filt2_b, q_w, q_b, k_w, k_b, v_w, v_b, o_w, o_b, blk_w, blk_b):
    ei_p = jnp.pad(edge_index.astype(jnp.int32), ((0, 0), (0, EPAD - E)))
    posf = pos.reshape(-1)
    zi = z.astype(jnp.int32)
    d2p, segp, cnts = _sc_prep(ei_p[0], ei_p[1], posf, zi)
    cnts1d = cnts.reshape(-1)
    srcs, segs, eids, cntp = _sc_place(ei_p[0], ei_p[1], segp, cnts1d)
    wn, wf0, wf1, wf2 = _tc_edge_dense(
        d2p.reshape(1252, 128), rbf_means.reshape(1, NRBF), rbf_betas.reshape(1, NRBF),
        ne_dproj_w, ne_dproj_b.reshape(1, H), filt1_w, filt1_b, filt2_w, filt2_b)
    wt = _sc_segsum_plain(wn, srcs, segs, eids, cnts1d)
    xp, maskp, xc = _tc_ne(
        zi.reshape(N, 1), cntp.reshape(NW, NB, 513, MAXZ), wt, emb, ne_emb,
        ne_comb_w, ne_comb_b.reshape(1, H), conv_lin1_w[0])
    wfs = (wf0, wf1, wf2)
    NP = 10112
    present = maskp > 0
    for l in range(L):
        yl = _sc_segsum_mul(wfs[l], xc, srcs, segs, eids, cnts1d)
        y = yl[:NP * MAXZ].reshape(NP, MAXZ, H)
        q = (y @ q_w[l] + q_b[l]).reshape(NP, MAXZ, NH, DH)
        k = (y @ k_w[l] + k_b[l]).reshape(NP, MAXZ, NH, DH)
        v = (y @ v_w[l] + v_b[l]).reshape(NP, MAXZ, NH, DH)
        attn = jnp.einsum('nmhd,nkhd->nhmk', q, k)
        attn = jnp.where(present[:, None, None, :], attn, jnp.float32(-1e9))
        p = jax.nn.softmax(attn, axis=-1)
        out = jnp.einsum('nhmk,nkhd->nmhd', p, v).reshape(NP, MAXZ, H)
        out = (out @ o_w[l] + o_b[l]) * maskp[:, :, None]
        yn = _silu(jnp.sum(out, axis=1))
        xp = xp + yn @ blk_w[l] + blk_b[l]
        if l < L - 1:
            xc = xp @ conv_lin1_w[l + 1]
    return xp[:N]

# --- scband reference (transcript-rebuilt; emitter-appended) ---
"""Pipeline reference for scband-element-transformer-28819230556708 (READ-ONLY COPY).

The authoritative reference and input builder live on the scoring server;
editing this copy changes nothing except your own understanding.
"""

import jax, jax.numpy as jnp
import numpy as np

N = 10000
E = 160000
H = 128
NH = 8
DH = H // NH
L = 3
NRBF = 50
MAXZ = 16
CUT_LO = 0.0
CUT_HI = 5.0


def silu(x):
    return x * jax.nn.sigmoid(x)


def cosine_cutoff(d):
    return 0.5 * (jnp.cos(d * jnp.pi / CUT_HI) + 1.0) * (d < CUT_HI)


def expnorm_rbf(d, means, betas):
    alpha = 5.0 / (CUT_HI - CUT_LO)
    return jnp.exp(-betas[None, :] * (jnp.exp(alpha * (CUT_LO - d[:, None])) - means[None, :]) ** 2)


def _xavier(k, shape):
    lim = float(np.sqrt(6.0 / (shape[-2] + shape[-1])))
    return jax.random.uniform(k, shape, jnp.float32, -lim, lim)


def setup_inputs(seed: int = 0):
    key = jax.random.key(seed)
    ks = jax.random.split(key, 24)
    start = float(np.exp(-CUT_HI + CUT_LO))
    inp = {
        "z": jax.random.randint(ks[0], (N,), 0, MAXZ),
        "pos": jax.random.uniform(ks[1], (N, 3), jnp.float32) * 5.0,
        "edge_index": jax.random.randint(ks[2], (2, E), 0, N),
        "emb": jax.random.normal(ks[3], (MAXZ, H), jnp.float32),
        "ne_emb": jax.random.normal(ks[4], (MAXZ, H), jnp.float32),
        "ne_dproj_w": _xavier(ks[5], (NRBF, H)),
        "ne_dproj_b": jnp.zeros((H,), jnp.float32),
        "ne_comb_w": _xavier(ks[6], (2 * H, H)),
        "ne_comb_b": jnp.zeros((H,), jnp.float32),
        "rbf_means": jnp.linspace(start, 1.0, NRBF).astype(jnp.float32),
        "rbf_betas": jnp.full((NRBF,), (2.0 / NRBF * (1.0 - start)) ** -2, jnp.float32),
        "conv_lin1_w": _xavier(ks[7], (L, H, H)),
        "filt1_w": _xavier(ks[8], (L, NRBF, H)),
        "filt1_b": jnp.zeros((L, H), jnp.float32),
        "filt2_w": _xavier(ks[9], (L, H, H)),
        "filt2_b": jnp.zeros((L, H), jnp.float32),
        "q_w": _xavier(ks[10], (L, H, H)),
        "q_b": jnp.zeros((L, H), jnp.float32),
        "k_w": _xavier(ks[11], (L, H, H)),
        "k_b": jnp.zeros((L, H), jnp.float32),
        "v_w": _xavier(ks[12], (L, H, H)),
        "v_b": jnp.zeros((L, H), jnp.float32),
        "o_w": _xavier(ks[13], (L, H, H)),
        "o_b": jnp.zeros((L, H), jnp.float32),
        "blk_w": _xavier(ks[14], (L, H, H)),
        "blk_b": jnp.zeros((L, H), jnp.float32),
    }
    return inp


def _forward(z, edge_index, pos, emb, ne_emb, ne_dproj_w, ne_dproj_b, ne_comb_w, ne_comb_b, rbf_means, rbf_betas, conv_lin1_w, filt1_w, filt1_b, filt2_w, filt2_b, q_w, q_b, k_w, k_b, v_w, v_b, o_w, o_b, blk_w, blk_b):
    src, dst = edge_index[0], edge_index[1]
    x = emb[z]
    diff = pos[src] - pos[dst]
    edge_weight = jnp.sqrt(jnp.sum(diff * diff, axis=-1) + 1e-12)
    edge_attr = expnorm_rbf(edge_weight, rbf_means, rbf_betas)
    C = cosine_cutoff(edge_weight)
    # NeighborEmbedding: x_neighbors aggregated via scatter-add, then combine
    Wn = (edge_attr @ ne_dproj_w + ne_dproj_b) * C[:, None]
    agg = jnp.zeros((N, H), jnp.float32).at[dst].add(ne_emb[z][src] * Wn)
    x = jnp.concatenate([x, agg], axis=-1) @ ne_comb_w + ne_comb_b
    # coalesce key: (dst node, source element type) -> dense [N, MAXZ] with presence mask
    seg = dst * MAXZ + z[src]
    cnt = jax.ops.segment_sum(jnp.ones((E,), jnp.float32), seg, num_segments=N * MAXZ).reshape(N, MAXZ)
    present = cnt > 0
    for l in range(L):
        # ElemConv: filter-net modulated messages, scatter-add coalesced by (z_src, dst)
        Wf = (silu(edge_attr @ filt1_w[l] + filt1_b[l]) @ filt2_w[l] + filt2_b[l]) * C[:, None]
        msg = (x @ conv_lin1_w[l])[src] * Wf
        y = jax.ops.segment_sum(msg, seg, num_segments=N * MAXZ).reshape(N, MAXZ, H)
        # ElemAttn: full multi-head attention among element entries of each node
        q = (y @ q_w[l] + q_b[l]).reshape(N, MAXZ, NH, DH)
        k = (y @ k_w[l] + k_b[l]).reshape(N, MAXZ, NH, DH)
        v = (y @ v_w[l] + v_b[l]).reshape(N, MAXZ, NH, DH)
        attn = jnp.einsum('nmhd,nkhd->nhmk', q, k)
        attn = jnp.where(present[:, None, None, :], attn, jnp.float32(-1e9))
        p = jax.nn.softmax(attn, axis=-1)
        out = jnp.einsum('nhmk,nkhd->nmhd', p, v).reshape(N, MAXZ, H)
        out = (out @ o_w[l] + o_b[l]) * present[:, :, None].astype(jnp.float32)
        # scatter over elem_index[1] == sum over element axis per node
        yn = silu(jnp.sum(out, axis=1))
        x = x + (yn @ blk_w[l] + blk_b[l])
    return x


def reference(z, pos, edge_index, emb, ne_emb, ne_dproj_w, ne_dproj_b, ne_comb_w, ne_comb_b, rbf_means, rbf_betas, conv_lin1_w, filt1_w, filt1_b, filt2_w, filt2_b, q_w, q_b, k_w, k_b, v_w, v_b, o_w, o_b, blk_w, blk_b):
    return _forward(z, edge_index, pos, emb, ne_emb, ne_dproj_w, ne_dproj_b, ne_comb_w, ne_comb_b, rbf_means, rbf_betas, conv_lin1_w, filt1_w, filt1_b, filt2_w, filt2_b, q_w, q_b, k_w, k_b, v_w, v_b, o_w, o_b, blk_w, blk_b)

if __name__ == "__main__":
    import jax
    _d = setup_inputs()
    print(jax.jit(kernel)(*tuple(_d.values())))

</pallas_src>

<mosaic_0001>
#map = affine_map<(d0, d1) -> (0)>
#map1 = affine_map<(d0, d1) -> (0, 0)>
module attributes {stable_mosaic.version = 14 : i64} {
  func.func @_prep_body(%arg0: i32, %arg1: i32, %arg2: memref<160256xi32, #tpu.memory_space<hbm>>, %arg3: memref<160256xi32, #tpu.memory_space<hbm>>, %arg4: memref<30000xf32, #tpu.memory_space<hbm>>, %arg5: memref<10000xi32, #tpu.memory_space<hbm>>, %arg6: memref<160256xf32, #tpu.memory_space<hbm>>, %arg7: memref<160256xi32, #tpu.memory_space<hbm>>, %arg8: memref<32x32xi32, #tpu.memory_space<hbm>>, %arg9: memref<30000xf32, #tpu.memory_space<vmem>>, %arg10: memref<10000xi32, #tpu.memory_space<vmem>>, %arg11: memref<5008xi32, #tpu.memory_space<vmem>>, %arg12: memref<5008xi32, #tpu.memory_space<vmem>>, %arg13: memref<5008xf32, #tpu.memory_space<vmem>>, %arg14: memref<5008xi32, #tpu.memory_space<vmem>>, %arg15: memref<32xi32, #tpu.memory_space<vmem>>, %arg16: memref<32xi32, #tpu.memory_space<smem>>) attributes {dimension_semantics = [#tpu.dimension_semantics<core_parallel>, #tpu.dimension_semantics<subcore_parallel>], iteration_bounds = array<i64: 2, 16>, scalar_prefetch = 0 : i64, scratch_operands = 8 : i64, tpu.core_type = #tpu.core_type<sc_vector_subcore>, window_params = [{transform_indices = #map}, {transform_indices = #map}, {transform_indices = #map}, {transform_indices = #map}, {transform_indices = #map}, {transform_indices = #map}, {transform_indices = #map1}]} {
    %mul3A = arith.constant 2 : i32
    %mul3A_0 = arith.muli %arg1, %mul3A : i32
    %add3A = arith.addi %mul3A_0, %arg0 : i32
    %mul3A_1 = arith.constant 5008 : i32
    %mul3A_2 = arith.muli %add3A, %mul3A_1 : i32
    %eq3A = arith.constant 31 : i32
    %eq3A_3 = arith.cmpi eq, %add3A, %eq3A : i32
    %jit3A = arith.constant 4752 : i32
    %jit3A_4 = arith.constant 5008 : i32
    %select_n3A = arith.select %eq3A_3, %jit3A, %jit3A_4 : i32
    %jit3A_5 = arith.constant 16 : i32
    %div3A = arith.divsi %select_n3A, %jit3A_5 : i32
    %sign3A = arith.constant 0 : i32
    %sign3A_6 = arith.cmpi sgt, %select_n3A, %sign3A : i32
    %sign3A_7 = arith.extui %sign3A_6 : i1 to i32
    %sign3A_8 = arith.constant 0 : i32
    %sign3A_9 = arith.cmpi slt, %select_n3A, %sign3A_8 : i32
    %sign3A_10 = arith.extui %sign3A_9 : i1 to i32
    %sign3A_11 = arith.subi %sign3A_7, %sign3A_10 : i32
    %sign3A_12 = arith.constant 0 : i32
    %sign3A_13 = arith.cmpi sgt, %jit3A_5, %sign3A_12 : i32
    %sign3A_14 = arith.extui %sign3A_13 : i1 to i32
    %sign3A_15 = arith.constant 0 : i32
    %sign3A_16 = arith.cmpi slt, %jit3A_5, %sign3A_15 : i32
    %sign3A_17 = arith.extui %sign3A_16 : i1 to i32
    %sign3A_18 = arith.subi %sign3A_14, %sign3A_17 : i32
    %ne3A = arith.cmpi ne, %sign3A_11, %sign3A_18 : i32
    %rem3A = arith.remsi %select_n3A, %jit3A_5 : i32
    %ne3A_19 = arith.constant 0 : i32
    %ne3A_20 = arith.cmpi ne, %rem3A, %ne3A_19 : i32
    %and3A = arith.andi %ne3A, %ne3A_20 : i1
    %sub3A = arith.constant 1 : i32
    %sub3A_21 = arith.subi %div3A, %sub3A : i32
    %select_n3A_22 = arith.select %and3A, %sub3A_21, %div3A : i32
    "tpu.region"() ({
      %run_scoped3A = tpu.sem_alloc : memref<!tpu.dma_semaphore, #tpu.memory_space<semaphore_mem>>
      tpu.enqueue_dma source(%arg4 : memref<30000xf32, #tpu.memory_space<hbm>>) target(%arg9 : memref<30000xf32, #tpu.memory_space<vmem>>) target_semaphore(%run_scoped3A : memref<!tpu.dma_semaphore, #tpu.memory_space<semaphore_mem>>)
      tpu.wait_dma2 semaphore(%run_scoped3A : memref<!tpu.dma_semaphore, #tpu.memory_space<semaphore_mem>>) src(%arg4 : memref<30000xf32, #tpu.memory_space<hbm>>) dst(%arg9 : memref<30000xf32, #tpu.memory_space<vmem>>)
      tpu.yield
    }) : () -> ()
    "tpu.region"() ({
      %run_scoped3A = tpu.sem_alloc : memref<!tpu.dma_semaphore, #tpu.memory_space<semaphore_mem>>
      tpu.enqueue_dma source(%arg5 : memref<10000xi32, #tpu.memory_space<hbm>>) target(%arg10 : memref<10000xi32, #tpu.memory_space<vmem>>) target_semaphore(%run_scoped3A : memref<!tpu.dma_semaphore, #tpu.memory_space<semaphore_mem>>)
      tpu.wait_dma2 semaphore(%run_scoped3A : memref<!tpu.dma_semaphore, #tpu.memory_space<semaphore_mem>>) src(%arg5 : memref<10000xi32, #tpu.memory_space<hbm>>) dst(%arg10 : memref<10000xi32, #tpu.memory_space<vmem>>)
      tpu.yield
    }) : () -> ()
    "tpu.region"() ({
      %run_scoped3A = tpu.sem_alloc : memref<!tpu.dma_semaphore, #tpu.memory_space<semaphore_mem>>
      %dma_start3A = tpu.memref_slice %arg2[%mul3A_2] : memref<160256xi32, #tpu.memory_space<hbm>> -> memref<5008xi32, #tpu.memory_space<hbm>>
      %dma_start3A_58 = tpu.memref_slice %arg2[%mul3A_2] : memref<160256xi32, #tpu.memory_space<hbm>> -> memref<5008xi32, #tpu.memory_space<hbm>>
      tpu.enqueue_dma source(%dma_start3A_58 : memref<5008xi32, #tpu.memory_space<hbm>>) target(%arg11 : memref<5008xi32, #tpu.memory_space<vmem>>) target_semaphore(%run_scoped3A : memref<!tpu.dma_semaphore, #tpu.memory_space<semaphore_mem>>)
      %dma_wait3A = tpu.memref_slice %arg2[%mul3A_2] : memref<160256xi32, #tpu.memory_space<hbm>> -> memref<5008xi32, #tpu.memory_space<hbm>>
      %dma_wait3A_59 = tpu.memref_slice %arg2[%mul3A_2] : memref<160256xi32, #tpu.memory_space<hbm>> -> memref<5008xi32, #tpu.memory_space<hbm>>
      tpu.wait_dma2 semaphore(%run_scoped3A : memref<!tpu.dma_semaphore, #tpu.memory_space<semaphore_mem>>) src(%dma_wait3A_59 : memref<5008xi32, #tpu.memory_space<hbm>>) dst(%arg11 : memref<5008xi32, #tpu.memory_space<vmem>>)
      tpu.yield
    }) : () -> ()
    "tpu.region"() ({
      %run_scoped3A = tpu.sem_alloc : memref<!tpu.dma_semaphore, #tpu.memory_space<semaphore_mem>>
      %dma_start3A = tpu.memref_slice %arg3[%mul3A_2] : memref<160256xi32, #tpu.memory_space<hbm>> -> memref<5008xi32, #tpu.memory_space<hbm>>
      %dma_start3A_58 = tpu.memref_slice %arg3[%mul3A_2] : memref<160256xi32, #tpu.memory_space<hbm>> -> memref<5008xi32, #tpu.memory_space<hbm>>
      tpu.enqueue_dma source(%dma_start3A_58 : memref<5008xi32, #tpu.memory_space<hbm>>) target(%arg12 : memref<5008xi32, #tpu.memory_space<vmem>>) target_semaphore(%run_scoped3A : memref<!tpu.dma_semaphore, #tpu.memory_space<semaphore_mem>>)
      %dma_wait3A = tpu.memref_slice %arg3[%mul3A_2] : memref<160256xi32, #tpu.memory_space<hbm>> -> memref<5008xi32, #tpu.memory_space<hbm>>
      %dma_wait3A_59 = tpu.memref_slice %arg3[%mul3A_2] : memref<160256xi32, #tpu.memory_space<hbm>> -> memref<5008xi32, #tpu.memory_space<hbm>>
      tpu.wait_dma2 semaphore(%run_scoped3A : memref<!tpu.dma_semaphore, #tpu.memory_space<semaphore_mem>>) src(%dma_wait3A_59 : memref<5008xi32, #tpu.memory_space<hbm>>) dst(%arg12 : memref<5008xi32, #tpu.memory_space<vmem>>)
      tpu.yield
    }) : () -> ()
    %iota3A = tpu.iota {dimensions = array<i32: 0>} : vector<16xi32>
    %broadcast_in_dim3A = arith.constant 0 : i32
    %broadcast_in_dim3A_23 = vector.broadcast %broadcast_in_dim3A : i32 to vector<16xi32>
    %while3A = arith.constant 0 : i32
    %while3A_24 = arith.subi %select_n3A_22, %while3A : i32
    %while3A_25 = arith.addi %while3A, %while3A_24 : i32
    %while3A_26 = arith.constant 1 : i32
    %while3A_27 = arith.divsi %while3A_24, %while3A_26 : i32
    %while3A_28 = arith.muli %while3A_27, %while3A_26 : i32
    %while3A_29 = arith.addi %while3A, %while3A_28 : i32
    %while3A_30 = arith.constant 1 : i32
    %while3A_31:2 = scf.for %while3A_58 = %while3A to %while3A_29 step %while3A_30 iter_args(%while3A_59 = %broadcast_in_dim3A_23, %while3A_60 = %broadcast_in_dim3A_23) -> (vector<16xi32>, vector<16xi32>)  : i32 {
      %mul3A_61 = arith.constant 16 : i32
      %mul3A_62 = arith.muli %while3A_58, %mul3A_61 : i32
      %get3A = arith.index_cast %mul3A_62 : i32 to index
      %get3A_63 = tpu.vector_load %arg11[%get3A] {strides = array<i32>} : memref<5008xi32, #tpu.memory_space<vmem>>, vector<16xi32>,
      %mul3A_64 = arith.constant 16 : i32
      %mul3A_65 = arith.muli %while3A_58, %mul3A_64 : i32
      %get3A_66 = arith.index_cast %mul3A_65 : i32 to index
      %get3A_67 = tpu.vector_load %arg12[%get3A_66] {strides = array<i32>} : memref<5008xi32, #tpu.memory_space<vmem>>, vector<16xi32>,
      %mul3A_68 = arith.constant 3 : i32
      %mul3A_69 = vector.broadcast %mul3A_68 : i32 to vector<16xi32>
      %mul3A_70 = arith.muli %get3A_63, %mul3A_69 : vector<16xi32>
      %mul3A_71 = arith.constant 3 : i32
      %mul3A_72 = vector.broadcast %mul3A_71 : i32 to vector<16xi32>
      %mul3A_73 = arith.muli %get3A_67, %mul3A_72 : vector<16xi32>
      %gather3A = tpu.vector_load_idx %arg9[%mul3A_70] : memref<30000xf32, #tpu.memory_space<vmem>>[vector<16xi32>], vector<16xf32>,
      %gather3A_74 = tpu.vector_load_idx %arg9[%mul3A_73] : memref<30000xf32, #tpu.memory_space<vmem>>[vector<16xi32>], vector<16xf32>,
      %sub3A_75 = arith.subf %gather3A, %gather3A_74 : vector<16xf32>
      %add3A_76 = arith.constant 1 : i32
      %add3A_77 = vector.broadcast %add3A_76 : i32 to vector<16xi32>
      %add3A_78 = arith.addi %mul3A_70, %add3A_77 : vector<16xi32>
      %gather3A_79 = tpu.vector_load_idx %arg9[%add3A_78] : memref<30000xf32, #tpu.memory_space<vmem>>[vector<16xi32>], vector<16xf32>,
      %add3A_80 = arith.constant 1 : i32
      %add3A_81 = vector.broadcast %add3A_80 : i32 to vector<16xi32>
      %add3A_82 = arith.addi %mul3A_73, %add3A_81 : vector<16xi32>
      %gather3A_83 = tpu.vector_load_idx %arg9[%add3A_82] : memref<30000xf32, #tpu.memory_space<vmem>>[vector<16xi32>], vector<16xf32>,
      %sub3A_84 = arith.subf %gather3A_79, %gather3A_83 : vector<16xf32>
      %add3A_85 = arith.constant 2 : i32
      %add3A_86 = vector.broadcast %add3A_85 : i32 to vector<16xi32>
      %add3A_87 = arith.addi %mul3A_70, %add3A_86 : vector<16xi32>
      %gather3A_88 = tpu.vector_load_idx %arg9[%add3A_87] : memref<30000xf32, #tpu.memory_space<vmem>>[vector<16xi32>], vector<16xf32>,
      %add3A_89 = arith.constant 2 : i32
      %add3A_90 = vector.broadcast %add3A_89 : i32 to vector<16xi32>
      %add3A_91 = arith.addi %mul3A_73, %add3A_90 : vector<16xi32>
      %gather3A_92 = tpu.vector_load_idx %arg9[%add3A_91] : memref<30000xf32, #tpu.memory_space<vmem>>[vector<16xi32>], vector<16xf32>,
      %sub3A_93 = arith.subf %gather3A_88, %gather3A_92 : vector<16xf32>
      %mul3A_94 = arith.mulf %sub3A_75, %sub3A_75 : vector<16xf32>
      %mul3A_95 = arith.mulf %sub3A_84, %sub3A_84 : vector<16xf32>
      %add3A_96 = arith.addf %mul3A_94, %mul3A_95 : vector<16xf32>
      %mul3A_97 = arith.mulf %sub3A_93, %sub3A_93 : vector<16xf32>
      %add3A_98 = arith.addf %add3A_96, %mul3A_97 : vector<16xf32>
      %gather3A_99 = tpu.vector_load_idx %arg10[%get3A_63] : memref<10000xi32, #tpu.memory_space<vmem>>[vector<16xi32>], vector<16xi32>,
      %mul3A_100 = arith.constant 16 : i32
      %mul3A_101 = arith.muli %while3A_58, %mul3A_100 : i32
      %swap3A_102 = arith.index_cast %mul3A_101 : i32 to index
      %swap3A_103 = tpu.vector_load %arg13[%swap3A_102] {strides = array<i32>} : memref<5008xf32, #tpu.memory_space<vmem>>, vector<16xf32>,
      tpu.vector_store %arg13[%swap3A_102], %add3A_98 {strides = array<i32>} : memref<5008xf32, #tpu.memory_space<vmem>>, vector<16xf32>,
      %mul3A_104 = arith.constant 16 : i32
      %mul3A_105 = vector.broadcast %mul3A_104 : i32 to vector<16xi32>
      %mul3A_106 = arith.muli %get3A_67, %mul3A_105 : vector<16xi32>
      %add3A_107 = arith.addi %mul3A_106, %gather3A_99 : vector<16xi32>
      %mul3A_108 = arith.constant 16 : i32
      %mul3A_109 = arith.muli %while3A_58, %mul3A_108 : i32
      %swap3A_110 = arith.index_cast %mul3A_109 : i32 to index
      %swap3A_111 = tpu.vector_load %arg14[%swap3A_110] {strides = array<i32>} : memref<5008xi32, #tpu.memory_space<vmem>>, vector<16xi32>,
      tpu.vector_store %arg14[%swap3A_110], %add3A_107 {strides = array<i32>} : memref<5008xi32, #tpu.memory_space<vmem>>, vector<16xi32>,
      %shift_right_logical3A_112 = arith.constant 9 : i32
      %shift_right_logical3A_113 = vector.broadcast %shift_right_logical3A_112 : i32 to vector<16xi32>
      %shift_right_logical3A_114 = arith.shrui %get3A_67, %shift_right_logical3A_113 : vector<16xi32>
      %eq3A_115 = arith.constant 0 : i32
      %eq3A_116 = vector.broadcast %eq3A_115 : i32 to vector<16xi32>
      %eq3A_117 = arith.cmpi eq, %shift_right_logical3A_114, %eq3A_116 : vector<16xi32>
      %convert_element_type3A = arith.extui %eq3A_117 : vector<16xi1> to vector<16xi32>
      %reduce_sum3A = arith.constant true
      %reduce_sum3A_118 = vector.broadcast %reduce_sum3A : i1 to vector<16xi1>
      %reduce_sum3A_119 = tpu.scan <sum>, %convert_element_type3A masked %reduce_sum3A_118 : vector<16xi32>, vector<16xi1> -> vector<16xi32>
      %reduce_sum3A_120 = vector.extract %reduce_sum3A_119[15] : i32 from vector<16xi32>
      %eq3A_121 = arith.constant 0 : i32
      %eq3A_122 = vector.broadcast %eq3A_121 : i32 to vector<16xi32>
      %eq3A_123 = arith.cmpi eq, %iota3A, %eq3A_122 : vector<16xi32>
      %convert_element_type3A_124 = arith.extui %eq3A_123 : vector<16xi1> to vector<16xi32>
      %mul3A_125 = vector.broadcast %reduce_sum3A_120 : i32 to vector<16xi32>
      %mul3A_126 = arith.muli %mul3A_125, %convert_element_type3A_124 : vector<16xi32>
      %add3A_127 = arith.addi %while3A_59, %mul3A_126 : vector<16xi32>
      %eq3A_128 = arith.constant 1 : i32
      %eq3A_129 = vector.broadcast %eq3A_128 : i32 to vector<16xi32>
      %eq3A_130 = arith.cmpi eq, %shift_right_logical3A_114, %eq3A_129 : vector<16xi32>
      %convert_element_type3A_131 = arith.extui %eq3A_130 : vector<16xi1> to vector<16xi32>
      %reduce_sum3A_132 = arith.constant true
      %reduce_sum3A_133 = vector.broadcast %reduce_sum3A_132 : i1 to vector<16xi1>
      %reduce_sum3A_134 = tpu.scan <sum>, %convert_element_type3A_131 masked %reduce_sum3A_133 : vector<16xi32>, vector<16xi1> -> vector<16xi32>
      %reduce_sum3A_135 = vector.extract %reduce_sum3A_134[15] : i32 from vector<16xi32>
      %eq3A_136 = arith.constant 1 : i32
      %eq3A_137 = vector.broadcast %eq3A_136 : i32 to vector<16xi32>
      %eq3A_138 = arith.cmpi eq, %iota3A, %eq3A_137 : vector<16xi32>
      %convert_element_type3A_139 = arith.extui %eq3A_138 : vector<16xi1> to vector<16xi32>
      %mul3A_140 = vector.broadcast %reduce_sum3A_135 : i32 to vector<16xi32>
      %mul3A_141 = arith.muli %mul3A_140, %convert_element_type3A_139 : vector<16xi32>
      %add3A_142 = arith.addi %add3A_127, %mul3A_141 : vector<16xi32>
      %eq3A_143 = arith.constant 2 : i32
      %eq3A_144 = vector.broadcast %eq3A_143 : i32 to vector<16xi32>
      %eq3A_145 = arith.cmpi eq, %shift_right_logical3A_114, %eq3A_144 : vector<16xi32>
      %convert_element_type3A_146 = arith.extui %eq3A_145 : vector<16xi1> to vector<16xi32>
      %reduce_sum3A_147 = arith.constant true
      %reduce_sum3A_148 = vector.broadcast %reduce_sum3A_147 : i1 to vector<16xi1>
      %reduce_sum3A_149 = tpu.scan <sum>, %convert_element_type3A_146 masked %reduce_sum3A_148 : vector<16xi32>, vector<16xi1> -> vector<16xi32>
      %reduce_sum3A_150 = vector.extract %reduce_sum3A_149[15] : i32 from vector<16xi32>
      %eq3A_151 = arith.constant 2 : i32
      %eq3A_152 = vector.broadcast %eq3A_151 : i32 to vector<16xi32>
      %eq3A_153 = arith.cmpi eq, %iota3A, %eq3A_152 : vector<16xi32>
      %convert_element_type3A_154 = arith.extui %eq3A_153 : vector<16xi1> to vector<16xi32>
      %mul3A_155 = vector.broadcast %reduce_sum3A_150 : i32 to vector<16xi32>
      %mul3A_156 = arith.muli %mul3A_155, %convert_element_type3A_154 : vector<16xi32>
      %add3A_157 = arith.addi %add3A_142, %mul3A_156 : vector<16xi32>
      %eq3A_158 = arith.constant 3 : i32
      %eq3A_159 = vector.broadcast %eq3A_158 : i32 to vector<16xi32>
      %eq3A_160 = arith.cmpi eq, %shift_right_logical3A_114, %eq3A_159 : vector<16xi32>
      %convert_element_type3A_161 = arith.extui %eq3A_160 : vector<16xi1> to vector<16xi32>
      %reduce_sum3A_162 = arith.constant true
      %reduce_sum3A_163 = vector.broadcast %reduce_sum3A_162 : i1 to vector<16xi1>
      %reduce_sum3A_164 = tpu.scan <sum>, %convert_element_type3A_161 masked %reduce_sum3A_163 : vector<16xi32>, vector<16xi1> -> vector<16xi32>
      %reduce_sum3A_165 = vector.extract %reduce_sum3A_164[15] : i32 from vector<16xi32>
      %eq3A_166 = arith.constant 3 : i32
      %eq3A_167 = vector.broadcast %eq3A_166 : i32 to vector<16xi32>
      %eq3A_168 = arith.cmpi eq, %iota3A, %eq3A_167 : vector<16xi32>
      %convert_element_type3A_169 = arith.extui %eq3A_168 : vector<16xi1> to vector<16xi32>
      %mul3A_170 = vector.broadcast %reduce_sum3A_165 : i32 to vector<16xi32>
      %mul3A_171 = arith.muli %mul3A_170, %convert_element_type3A_169 : vector<16xi32>
      %add3A_172 = arith.addi %add3A_157, %mul3A_171 : vector<16xi32>
      %eq3A_173 = arith.constant 4 : i32
      %eq3A_174 = vector.broadcast %eq3A_173 : i32 to vector<16xi32>
      %eq3A_175 = arith.cmpi eq, %shift_right_logical3A_114, %eq3A_174 : vector<16xi32>
      %convert_element_type3A_176 = arith.extui %eq3A_175 : vector<16xi1> to vector<16xi32>
      %reduce_sum3A_177 = arith.constant true
      %reduce_sum3A_178 = vector.broadcast %reduce_sum3A_177 : i1 to vector<16xi1>
      %reduce_sum3A_179 = tpu.scan <sum>, %convert_element_type3A_176 masked %reduce_sum3A_178 : vector<16xi32>, vector<16xi1> -> vector<16xi32>
      %reduce_sum3A_180 = vector.extract %reduce_sum3A_179[15] : i32 from vector<16xi32>
      %eq3A_181 = arith.constant 4 : i32
      %eq3A_182 = vector.broadcast %eq3A_181 : i32 to vector<16xi32>
      %eq3A_183 = arith.cmpi eq, %iota3A, %eq3A_182 : vector<16xi32>
      %convert_element_type3A_184 = arith.extui %eq3A_183 : vector<16xi1> to vector<16xi32>
      %mul3A_185 = vector.broadcast %reduce_sum3A_180 : i32 to vector<16xi32>
      %mul3A_186 = arith.muli %mul3A_185, %convert_element_type3A_184 : vector<16xi32>
      %add3A_187 = arith.addi %add3A_172, %mul3A_186 : vector<16xi32>
      %eq3A_188 = arith.constant 5 : i32
      %eq3A_189 = vector.broadcast %eq3A_188 : i32 to vector<16xi32>
      %eq3A_190 = arith.cmpi eq, %shift_right_logical3A_114, %eq3A_189 : vector<16xi32>
      %convert_element_type3A_191 = arith.extui %eq3A_190 : vector<16xi1> to vector<16xi32>
      %reduce_sum3A_192 = arith.constant true
      %reduce_sum3A_193 = vector.broadcast %reduce_sum3A_192 : i1 to vector<16xi1>
      %reduce_sum3A_194 = tpu.scan <sum>, %convert_element_type3A_191 masked %reduce_sum3A_193 : vector<16xi32>, vector<16xi1> -> vector<16xi32>
      %reduce_sum3A_195 = vector.extract %reduce_sum3A_194[15] : i32 from vector<16xi32>
      %eq3A_196 = arith.constant 5 : i32
      %eq3A_197 = vector.broadcast %eq3A_196 : i32 to vector<16xi32>
      %eq3A_198 = arith.cmpi eq, %iota3A, %eq3A_197 : vector<16xi32>
      %convert_element_type3A_199 = arith.extui %eq3A_198 : vector<16xi1> to vector<16xi32>
      %mul3A_200 = vector.broadcast %reduce_sum3A_195 : i32 to vector<16xi32>
      %mul3A_201 = arith.muli %mul3A_200, %convert_element_type3A_199 : vector<16xi32>
      %add3A_202 = arith.addi %add3A_187, %mul3A_201 : vector<16xi32>
      %eq3A_203 = arith.constant 6 : i32
      %eq3A_204 = vector.broadcast %eq3A_203 : i32 to vector<16xi32>
      %eq3A_205 = arith.cmpi eq, %shift_right_logical3A_114, %eq3A_204 : vector<16xi32>
      %convert_element_type3A_206 = arith.extui %eq3A_205 : vector<16xi1> to vector<16xi32>
      %reduce_sum3A_207 = arith.constant true
      %reduce_sum3A_208 = vector.broadcast %reduce_sum3A_207 : i1 to vector<16xi1>
      %reduce_sum3A_209 = tpu.scan <sum>, %convert_element_type3A_206 masked %reduce_sum3A_208 : vector<16xi32>, vector<16xi1> -> vector<16xi32>
      %reduce_sum3A_210 = vector.extract %reduce_sum3A_209[15] : i32 from vector<16xi32>
      %eq3A_211 = arith.constant 6 : i32
      %eq3A_212 = vector.broadcast %eq3A_211 : i32 to vector<16xi32>
      %eq3A_213 = arith.cmpi eq, %iota3A, %eq3A_212 : vector<16xi32>
      %convert_element_type3A_214 = arith.extui %eq3A_213 : vector<16xi1> to vector<16xi32>
      %mul3A_215 = vector.broadcast %reduce_sum3A_210 : i32 to vector<16xi32>
      %mul3A_216 = arith.muli %mul3A_215, %convert_element_type3A_214 : vector<16xi32>
      %add3A_217 = arith.addi %add3A_202, %mul3A_216 : vector<16xi32>
      %eq3A_218 = arith.constant 7 : i32
      %eq3A_219 = vector.broadcast %eq3A_218 : i32 to vector<16xi32>
      %eq3A_220 = arith.cmpi eq, %shift_right_logical3A_114, %eq3A_219 : vector<16xi32>
      %convert_element_type3A_221 = arith.extui %eq3A_220 : vector<16xi1> to vector<16xi32>
      %reduce_sum3A_222 = arith.constant true
      %reduce_sum3A_223 = vector.broadcast %reduce_sum3A_222 : i1 to vector<16xi1>
      %reduce_sum3A_224 = tpu.scan <sum>, %convert_element_type3A_221 masked %reduce_sum3A_223 : vector<16xi32>, vector<16xi1> -> vector<16xi32>
      %reduce_sum3A_225 = vector.extract %reduce_sum3A_224[15] : i32 from vector<16xi32>
      %eq3A_226 = arith.constant 7 : i32
      %eq3A_227 = vector.broadcast %eq3A_226 : i32 to vector<16xi32>
      %eq3A_228 = arith.cmpi eq, %iota3A, %eq3A_227 : vector<16xi32>
      %convert_element_type3A_229 = arith.extui %eq3A_228 : vector<16xi1> to vector<16xi32>
      %mul3A_230 = vector.broadcast %reduce_sum3A_225 : i32 to vector<16xi32>
      %mul3A_231 = arith.muli %mul3A_230, %convert_element_type3A_229 : vector<16xi32>
      %add3A_232 = arith.addi %add3A_217, %mul3A_231 : vector<16xi32>
      %eq3A_233 = arith.constant 8 : i32
      %eq3A_234 = vector.broadcast %eq3A_233 : i32 to vector<16xi32>
      %eq3A_235 = arith.cmpi eq, %shift_right_logical3A_114, %eq3A_234 : vector<16xi32>
      %convert_element_type3A_236 = arith.extui %eq3A_235 : vector<16xi1> to vector<16xi32>
      %reduce_sum3A_237 = arith.constant true
      %reduce_sum3A_238 = vector.broadcast %reduce_sum3A_237 : i1 to vector<16xi1>
      %reduce_sum3A_239 = tpu.scan <sum>, %convert_element_type3A_236 masked %reduce_sum3A_238 : vector<16xi32>, vector<16xi1> -> vector<16xi32>
      %reduce_sum3A_240 = vector.extract %reduce_sum3A_239[15] : i32 from vector<16xi32>
      %eq3A_241 = arith.constant 8 : i32
      %eq3A_242 = vector.broadcast %eq3A_241 : i32 to vector<16xi32>
      %eq3A_243 = arith.cmpi eq, %iota3A, %eq3A_242 : vector<16xi32>
      %convert_element_type3A_244 = arith.extui %eq3A_243 : vector<16xi1> to vector<16xi32>
      %mul3A_245 = vector.broadcast %reduce_sum3A_240 : i32 to vector<16xi32>
      %mul3A_246 = arith.muli %mul3A_245, %convert_element_type3A_244 : vector<16xi32>
      %add3A_247 = arith.addi %add3A_232, %mul3A_246 : vector<16xi32>
      %eq3A_248 = arith.constant 9 : i32
      %eq3A_249 = vector.broadcast %eq3A_248 : i32 to vector<16xi32>
      %eq3A_250 = arith.cmpi eq, %shift_right_logical3A_114, %eq3A_249 : vector<16xi32>
      %convert_element_type3A_251 = arith.extui %eq3A_250 : vector<16xi1> to vector<16xi32>
      %reduce_sum3A_252 = arith.constant true
      %reduce_sum3A_253 = vector.broadcast %reduce_sum3A_252 : i1 to vector<16xi1>
      %reduce_sum3A_254 = tpu.scan <sum>, %convert_element_type3A_251 masked %reduce_sum3A_253 : vector<16xi32>, vector<16xi1> -> vector<16xi32>
      %reduce_sum3A_255 = vector.extract %reduce_sum3A_254[15] : i32 from vector<16xi32>
      %eq3A_256 = arith.constant 9 : i32
      %eq3A_257 = vector.broadcast %eq3A_256 : i32 to vector<16xi32>
      %eq3A_258 = arith.cmpi eq, %iota3A, %eq3A_257 : vector<16xi32>
      %convert_element_type3A_259 = arith.extui %eq3A_258 : vector<16xi1> to vector<16xi32>
      %mul3A_260 = vector.broadcast %reduce_sum3A_255 : i32 to vector<16xi32>
      %mul3A_261 = arith.muli %mul3A_260, %convert_element_type3A_259 : vector<16xi32>
      %add3A_262 = arith.addi %add3A_247, %mul3A_261 : vector<16xi32>
      %eq3A_263 = arith.constant 10 : i32
      %eq3A_264 = vector.broadcast %eq3A_263 : i32 to vector<16xi32>
      %eq3A_265 = arith.cmpi eq, %shift_right_logical3A_114, %eq3A_264 : vector<16xi32>
      %convert_element_type3A_266 = arith.extui %eq3A_265 : vector<16xi1> to vector<16xi32>
      %reduce_sum3A_267 = arith.constant true
      %reduce_sum3A_268 = vector.broadcast %reduce_sum3A_267 : i1 to vector<16xi1>
      %reduce_sum3A_269 = tpu.scan <sum>, %convert_element_type3A_266 masked %reduce_sum3A_268 : vector<16xi32>, vector<16xi1> -> vector<16xi32>
      %reduce_sum3A_270 = vector.extract %reduce_sum3A_269[15] : i32 from vector<16xi32>
      %eq3A_271 = arith.constant 10 : i32
      %eq3A_272 = vector.broadcast %eq3A_271 : i32 to vector<16xi32>
      %eq3A_273 = arith.cmpi eq, %iota3A, %eq3A_272 : vector<16xi32>
      %convert_element_type3A_274 = arith.extui %eq3A_273 : vector<16xi1> to vector<16xi32>
      %mul3A_275 = vector.broadcast %reduce_sum3A_270 : i32 to vector<16xi32>
      %mul3A_276 = arith.muli %mul3A_275, %convert_element_type3A_274 : vector<16xi32>
      %add3A_277 = arith.addi %add3A_262, %mul3A_276 : vector<16xi32>
      %eq3A_278 = arith.constant 11 : i32
      %eq3A_279 = vector.broadcast %eq3A_278 : i32 to vector<16xi32>
      %eq3A_280 = arith.cmpi eq, %shift_right_logical3A_114, %eq3A_279 : vector<16xi32>
      %convert_element_type3A_281 = arith.extui %eq3A_280 : vector<16xi1> to vector<16xi32>
      %reduce_sum3A_282 = arith.constant true
      %reduce_sum3A_283 = vector.broadcast %reduce_sum3A_282 : i1 to vector<16xi1>
      %reduce_sum3A_284 = tpu.scan <sum>, %convert_element_type3A_281 masked %reduce_sum3A_283 : vector<16xi32>, vector<16xi1> -> vector<16xi32>
      %reduce_sum3A_285 = vector.extract %reduce_sum3A_284[15] : i32 from vector<16xi32>
      %eq3A_286 = arith.constant 11 : i32
      %eq3A_287 = vector.broadcast %eq3A_286 : i32 to vector<16xi32>
      %eq3A_288 = arith.cmpi eq, %iota3A, %eq3A_287 : vector<16xi32>
      %convert_element_type3A_289 = arith.extui %eq3A_288 : vector<16xi1> to vector<16xi32>
      %mul3A_290 = vector.broadcast %reduce_sum3A_285 : i32 to vector<16xi32>
      %mul3A_291 = arith.muli %mul3A_290, %convert_element_type3A_289 : vector<16xi32>
      %add3A_292 = arith.addi %add3A_277, %mul3A_291 : vector<16xi32>
      %eq3A_293 = arith.constant 12 : i32
      %eq3A_294 = vector.broadcast %eq3A_293 : i32 to vector<16xi32>
      %eq3A_295 = arith.cmpi eq, %shift_right_logical3A_114, %eq3A_294 : vector<16xi32>
      %convert_element_type3A_296 = arith.extui %eq3A_295 : vector<16xi1> to vector<16xi32>
      %reduce_sum3A_297 = arith.constant true
      %reduce_sum3A_298 = vector.broadcast %reduce_sum3A_297 : i1 to vector<16xi1>
      %reduce_sum3A_299 = tpu.scan <sum>, %convert_element_type3A_296 masked %reduce_sum3A_298 : vector<16xi32>, vector<16xi1> -> vector<16xi32>
      %reduce_sum3A_300 = vector.extract %reduce_sum3A_299[15] : i32 from vector<16xi32>
      %eq3A_301 = arith.constant 12 : i32
      %eq3A_302 = vector.broadcast %eq3A_301 : i32 to vector<16xi32>
      %eq3A_303 = arith.cmpi eq, %iota3A, %eq3A_302 : vector<16xi32>
      %convert_element_type3A_304 = arith.extui %eq3A_303 : vector<16xi1> to vector<16xi32>
      %mul3A_305 = vector.broadcast %reduce_sum3A_300 : i32 to vector<16xi32>
      %mul3A_306 = arith.muli %mul3A_305, %convert_element_type3A_304 : vector<16xi32>
      %add3A_307 = arith.addi %add3A_292, %mul3A_306 : vector<16xi32>
      %eq3A_308 = arith.constant 13 : i32
      %eq3A_309 = vector.broadcast %eq3A_308 : i32 to vector<16xi32>
      %eq3A_310 = arith.cmpi eq, %shift_right_logical3A_114, %eq3A_309 : vector<16xi32>
      %convert_element_type3A_311 = arith.extui %eq3A_310 : vector<16xi1> to vector<16xi32>
      %reduce_sum3A_312 = arith.constant true
      %reduce_sum3A_313 = vector.broadcast %reduce_sum3A_312 : i1 to vector<16xi1>
      %reduce_sum3A_314 = tpu.scan <sum>, %convert_element_type3A_311 masked %reduce_sum3A_313 : vector<16xi32>, vector<16xi1> -> vector<16xi32>
      %reduce_sum3A_315 = vector.extract %reduce_sum3A_314[15] : i32 from vector<16xi32>
      %eq3A_316 = arith.constant 13 : i32
      %eq3A_317 = vector.broadcast %eq3A_316 : i32 to vector<16xi32>
      %eq3A_318 = arith.cmpi eq, %iota3A, %eq3A_317 : vector<16xi32>
      %convert_element_type3A_319 = arith.extui %eq3A_318 : vector<16xi1> to vector<16xi32>
      %mul3A_320 = vector.broadcast %reduce_sum3A_315 : i32 to vector<16xi32>
      %mul3A_321 = arith.muli %mul3A_320, %convert_element_type3A_319 : vector<16xi32>
      %add3A_322 = arith.addi %add3A_307, %mul3A_321 : vector<16xi32>
      %eq3A_323 = arith.constant 14 : i32
      %eq3A_324 = vector.broadcast %eq3A_323 : i32 to vector<16xi32>
      %eq3A_325 = arith.cmpi eq, %shift_right_logical3A_114, %eq3A_324 : vector<16xi32>
      %convert_element_type3A_326 = arith.extui %eq3A_325 : vector<16xi1> to vector<16xi32>
      %reduce_sum3A_327 = arith.constant true
      %reduce_sum3A_328 = vector.broadcast %reduce_sum3A_327 : i1 to vector<16xi1>
      %reduce_sum3A_329 = tpu.scan <sum>, %convert_element_type3A_326 masked %reduce_sum3A_328 : vector<16xi32>, vector<16xi1> -> vector<16xi32>
      %reduce_sum3A_330 = vector.extract %reduce_sum3A_329[15] : i32 from vector<16xi32>
      %eq3A_331 = arith.constant 14 : i32
      %eq3A_332 = vector.broadcast %eq3A_331 : i32 to vector<16xi32>
      %eq3A_333 = arith.cmpi eq, %iota3A, %eq3A_332 : vector<16xi32>
      %convert_element_type3A_334 = arith.extui %eq3A_333 : vector<16xi1> to vector<16xi32>
      %mul3A_335 = vector.broadcast %reduce_sum3A_330 : i32 to vector<16xi32>
      %mul3A_336 = arith.muli %mul3A_335, %convert_element_type3A_334 : vector<16xi32>
      %add3A_337 = arith.addi %add3A_322, %mul3A_336 : vector<16xi32>
      %eq3A_338 = arith.constant 15 : i32
      %eq3A_339 = vector.broadcast %eq3A_338 : i32 to vector<16xi32>
      %eq3A_340 = arith.cmpi eq, %shift_right_logical3A_114, %eq3A_339 : vector<16xi32>
      %convert_element_type3A_341 = arith.extui %eq3A_340 : vector<16xi1> to vector<16xi32>
      %reduce_sum3A_342 = arith.constant true
      %reduce_sum3A_343 = vector.broadcast %reduce_sum3A_342 : i1 to vector<16xi1>
      %reduce_sum3A_344 = tpu.scan <sum>, %convert_element_type3A_341 masked %reduce_sum3A_343 : vector<16xi32>, vector<16xi1> -> vector<16xi32>
      %reduce_sum3A_345 = vector.extract %reduce_sum3A_344[15] : i32 from vector<16xi32>
      %eq3A_346 = arith.constant 15 : i32
      %eq3A_347 = vector.broadcast %eq3A_346 : i32 to vector<16xi32>
      %eq3A_348 = arith.cmpi eq, %iota3A, %eq3A_347 : vector<16xi32>
      %convert_element_type3A_349 = arith.extui %eq3A_348 : vector<16xi1> to vector<16xi32>
      %mul3A_350 = vector.broadcast %reduce_sum3A_345 : i32 to vector<16xi32>
      %mul3A_351 = arith.muli %mul3A_350, %convert_element_type3A_349 : vector<16xi32>
      %add3A_352 = arith.addi %add3A_337, %mul3A_351 : vector<16xi32>
      %eq3A_353 = arith.constant 16 : i32
      %eq3A_354 = vector.broadcast %eq3A_353 : i32 to vector<16xi32>
      %eq3A_355 = arith.cmpi eq, %shift_right_logical3A_114, %eq3A_354 : vector<16xi32>
      %convert_element_type3A_356 = arith.extui %eq3A_355 : vector<16xi1> to vector<16xi32>
      %reduce_sum3A_357 = arith.constant true
      %reduce_sum3A_358 = vector.broadcast %reduce_sum3A_357 : i1 to vector<16xi1>
      %reduce_sum3A_359 = tpu.scan <sum>, %convert_element_type3A_356 masked %reduce_sum3A_358 : vector<16xi32>, vector<16xi1> -> vector<16xi32>
      %reduce_sum3A_360 = vector.extract %reduce_sum3A_359[15] : i32 from vector<16xi32>
      %eq3A_361 = arith.constant 0 : i32
      %eq3A_362 = vector.broadcast %eq3A_361 : i32 to vector<16xi32>
      %eq3A_363 = arith.cmpi eq, %iota3A, %eq3A_362 : vector<16xi32>
      %convert_element_type3A_364 = arith.extui %eq3A_363 : vector<16xi1> to vector<16xi32>
      %mul3A_365 = vector.broadcast %reduce_sum3A_360 : i32 to vector<16xi32>
      %mul3A_366 = arith.muli %mul3A_365, %convert_element_type3A_364 : vector<16xi32>
      %add3A_367 = arith.addi %while3A_60, %mul3A_366 : vector<16xi32>
      %eq3A_368 = arith.constant 17 : i32
      %eq3A_369 = vector.broadcast %eq3A_368 : i32 to vector<16xi32>
      %eq3A_370 = arith.cmpi eq, %shift_right_logical3A_114, %eq3A_369 : vector<16xi32>
      %convert_element_type3A_371 = arith.extui %eq3A_370 : vector<16xi1> to vector<16xi32>
      %reduce_sum3A_372 = arith.constant true
      %reduce_sum3A_373 = vector.broadcast %reduce_sum3A_372 : i1 to vector<16xi1>
      %reduce_sum3A_374 = tpu.scan <sum>, %convert_element_type3A_371 masked %reduce_sum3A_373 : vector<16xi32>, vector<16xi1> -> vector<16xi32>
      %reduce_sum3A_375 = vector.extract %reduce_sum3A_374[15] : i32 from vector<16xi32>
      %eq3A_376 = arith.constant 1 : i32
      %eq3A_377 = vector.broadcast %eq3A_376 : i32 to vector<16xi32>
      %eq3A_378 = arith.cmpi eq, %iota3A, %eq3A_377 : vector<16xi32>
      %convert_element_type3A_379 = arith.extui %eq3A_378 : vector<16xi1> to vector<16xi32>
      %mul3A_380 = vector.broadcast %reduce_sum3A_375 : i32 to vector<16xi32>
      %mul3A_381 = arith.muli %mul3A_380, %convert_element_type3A_379 : vector<16xi32>
      %add3A_382 = arith.addi %add3A_367, %mul3A_381 : vector<16xi32>
      %eq3A_383 = arith.constant 18 : i32
      %eq3A_384 = vector.broadcast %eq3A_383 : i32 to vector<16xi32>
      %eq3A_385 = arith.cmpi eq, %shift_right_logical3A_114, %eq3A_384 : vector<16xi32>
      %convert_element_type3A_386 = arith.extui %eq3A_385 : vector<16xi1> to vector<16xi32>
      %reduce_sum3A_387 = arith.constant true
      %reduce_sum3A_388 = vector.broadcast %reduce_sum3A_387 : i1 to vector<16xi1>
      %reduce_sum3A_389 = tpu.scan <sum>, %convert_element_type3A_386 masked %reduce_sum3A_388 : vector<16xi32>, vector<16xi1> -> vector<16xi32>
      %reduce_sum3A_390 = vector.extract %reduce_sum3A_389[15] : i32 from vector<16xi32>
      %eq3A_391 = arith.constant 2 : i32
      %eq3A_392 = vector.broadcast %eq3A_391 : i32 to vector<16xi32>
      %eq3A_393 = arith.cmpi eq, %iota3A, %eq3A_392 : vector<16xi32>
      %convert_element_type3A_394 = arith.extui %eq3A_393 : vector<16xi1> to vector<16xi32>
      %mul3A_395 = vector.broadcast %reduce_sum3A_390 : i32 to vector<16xi32>
      %mul3A_396 = arith.muli %mul3A_395, %convert_element_type3A_394 : vector<16xi32>
      %add3A_397 = arith.addi %add3A_382, %mul3A_396 : vector<16xi32>
      %eq3A_398 = arith.constant 19 : i32
      %eq3A_399 = vector.broadcast %eq3A_398 : i32 to vector<16xi32>
      %eq3A_400 = arith.cmpi eq, %shift_right_logical3A_114, %eq3A_399 : vector<16xi32>
      %convert_element_type3A_401 = arith.extui %eq3A_400 : vector<16xi1> to vector<16xi32>
      %reduce_sum3A_402 = arith.constant true
      %reduce_sum3A_403 = vector.broadcast %reduce_sum3A_402 : i1 to vector<16xi1>
      %reduce_sum3A_404 = tpu.scan <sum>, %convert_element_type3A_401 masked %reduce_sum3A_403 : vector<16xi32>, vector<16xi1> -> vector<16xi32>
      %reduce_sum3A_405 = vector.extract %reduce_sum3A_404[15] : i32 from vector<16xi32>
      %eq3A_406 = arith.constant 3 : i32
      %eq3A_407 = vector.broadcast %eq3A_406 : i32 to vector<16xi32>
      %eq3A_408 = arith.cmpi eq, %iota3A, %eq3A_407 : vector<16xi32>
      %convert_element_type3A_409 = arith.extui %eq3A_408 : vector<16xi1> to vector<16xi32>
      %mul3A_410 = vector.broadcast %reduce_sum3A_405 : i32 to vector<16xi32>
      %mul3A_411 = arith.muli %mul3A_410, %convert_element_type3A_409 : vector<16xi32>
      %add3A_412 = arith.addi %add3A_397, %mul3A_411 : vector<16xi32>
      scf.yield %add3A_352, %add3A_412 : vector<16xi32>, vector<16xi32>
    }
    %while3A_32 = arith.constant 1 : i32
    %while3A_33:2 = scf.for %while3A_58 = %while3A_29 to %while3A_25 step %while3A_32 iter_args(%while3A_59 = %while3A_31#0, %while3A_60 = %while3A_31#1) -> (vector<16xi32>, vector<16xi32>)  : i32 {
      %mul3A_61 = arith.constant 16 : i32
      %mul3A_62 = arith.muli %while3A_58, %mul3A_61 : i32
      %get3A = arith.index_cast %mul3A_62 : i32 to index
      %get3A_63 = tpu.vector_load %arg11[%get3A] {strides = array<i32>} : memref<5008xi32, #tpu.memory_space<vmem>>, vector<16xi32>,
      %mul3A_64 = arith.constant 16 : i32
      %mul3A_65 = arith.muli %while3A_58, %mul3A_64 : i32
      %get3A_66 = arith.index_cast %mul3A_65 : i32 to index
      %get3A_67 = tpu.vector_load %arg12[%get3A_66] {strides = array<i32>} : memref<5008xi32, #tpu.memory_space<vmem>>, vector<16xi32>,
      %mul3A_68 = arith.constant 3 : i32
      %mul3A_69 = vector.broadcast %mul3A_68 : i32 to vector<16xi32>
      %mul3A_70 = arith.muli %get3A_63, %mul3A_69 : vector<16xi32>
      %mul3A_71 = arith.constant 3 : i32
      %mul3A_72 = vector.broadcast %mul3A_71 : i32 to vector<16xi32>
      %mul3A_73 = arith.muli %get3A_67, %mul3A_72 : vector<16xi32>
      %gather3A = tpu.vector_load_idx %arg9[%mul3A_70] : memref<30000xf32, #tpu.memory_space<vmem>>[vector<16xi32>], vector<16xf32>,
      %gather3A_74 = tpu.vector_load_idx %arg9[%mul3A_73] : memref<30000xf32, #tpu.memory_space<vmem>>[vector<16xi32>], vector<16xf32>,
      %sub3A_75 = arith.subf %gather3A, %gather3A_74 : vector<16xf32>
      %add3A_76 = arith.constant 1 : i32
      %add3A_77 = vector.broadcast %add3A_76 : i32 to vector<16xi32>
      %add3A_78 = arith.addi %mul3A_70, %add3A_77 : vector<16xi32>
      %gather3A_79 = tpu.vector_load_idx %arg9[%add3A_78] : memref<30000xf32, #tpu.memory_space<vmem>>[vector<16xi32>], vector<16xf32>,
      %add3A_80 = arith.constant 1 : i32
      %add3A_81 = vector.broadcast %add3A_80 : i32 to vector<16xi32>
      %add3A_82 = arith.addi %mul3A_73, %add3A_81 : vector<16xi32>
      %gather3A_83 = tpu.vector_load_idx %arg9[%add3A_82] : memref<30000xf32, #tpu.memory_space<vmem>>[vector<16xi32>], vector<16xf32>,
      %sub3A_84 = arith.subf %gather3A_79, %gather3A_83 : vector<16xf32>
      %add3A_85 = arith.constant 2 : i32
      %add3A_86 = vector.broadcast %add3A_85 : i32 to vector<16xi32>
      %add3A_87 = arith.addi %mul3A_70, %add3A_86 : vector<16xi32>
      %gather3A_88 = tpu.vector_load_idx %arg9[%add3A_87] : memref<30000xf32, #tpu.memory_space<vmem>>[vector<16xi32>], vector<16xf32>,
      %add3A_89 = arith.constant 2 : i32
      %add3A_90 = vector.broadcast %add3A_89 : i32 to vector<16xi32>
      %add3A_91 = arith.addi %mul3A_73, %add3A_90 : vector<16xi32>
      %gather3A_92 = tpu.vector_load_idx %arg9[%add3A_91] : memref<30000xf32, #tpu.memory_space<vmem>>[vector<16xi32>], vector<16xf32>,
      %sub3A_93 = arith.subf %gather3A_88, %gather3A_92 : vector<16xf32>
      %mul3A_94 = arith.mulf %sub3A_75, %sub3A_75 : vector<16xf32>
      %mul3A_95 = arith.mulf %sub3A_84, %sub3A_84 : vector<16xf32>
      %add3A_96 = arith.addf %mul3A_94, %mul3A_95 : vector<16xf32>
      %mul3A_97 = arith.mulf %sub3A_93, %sub3A_93 : vector<16xf32>
      %add3A_98 = arith.addf %add3A_96, %mul3A_97 : vector<16xf32>
      %gather3A_99 = tpu.vector_load_idx %arg10[%get3A_63] : memref<10000xi32, #tpu.memory_space<vmem>>[vector<16xi32>], vector<16xi32>,
      %mul3A_100 = arith.constant 16 : i32
      %mul3A_101 = arith.muli %while3A_58, %mul3A_100 : i32
      %swap3A_102 = arith.index_cast %mul3A_101 : i32 to index
      %swap3A_103 = tpu.vector_load %arg13[%swap3A_102] {strides = array<i32>} : memref<5008xf32, #tpu.memory_space<vmem>>, vector<16xf32>,
      tpu.vector_store %arg13[%swap3A_102], %add3A_98 {strides = array<i32>} : memref<5008xf32, #tpu.memory_space<vmem>>, vector<16xf32>,
      %mul3A_104 = arith.constant 16 : i32
      %mul3A_105 = vector.broadcast %mul3A_104 : i32 to vector<16xi32>
      %mul3A_106 = arith.muli %get3A_67, %mul3A_105 : vector<16xi32>
      %add3A_107 = arith.addi %mul3A_106, %gather3A_99 : vector<16xi32>
      %mul3A_108 = arith.constant 16 : i32
      %mul3A_109 = arith.muli %while3A_58, %mul3A_108 : i32
      %swap3A_110 = arith.index_cast %mul3A_109 : i32 to index
      %swap3A_111 = tpu.vector_load %arg14[%swap3A_110] {strides = array<i32>} : memref<5008xi32, #tpu.memory_space<vmem>>, vector<16xi32>,
      tpu.vector_store %arg14[%swap3A_110], %add3A_107 {strides = array<i32>} : memref<5008xi32, #tpu.memory_space<vmem>>, vector<16xi32>,
      %shift_right_logical3A_112 = arith.constant 9 : i32
      %shift_right_logical3A_113 = vector.broadcast %shift_right_logical3A_112 : i32 to vector<16xi32>
      %shift_right_logical3A_114 = arith.shrui %get3A_67, %shift_right_logical3A_113 : vector<16xi32>
      %eq3A_115 = arith.constant 0 : i32
      %eq3A_116 = vector.broadcast %eq3A_115 : i32 to vector<16xi32>
      %eq3A_117 = arith.cmpi eq, %shift_right_logical3A_114, %eq3A_116 : vector<16xi32>
      %convert_element_type3A = arith.extui %eq3A_117 : vector<16xi1> to vector<16xi32>
      %reduce_sum3A = arith.constant true
      %reduce_sum3A_118 = vector.broadcast %reduce_sum3A : i1 to vector<16xi1>
      %reduce_sum3A_119 = tpu.scan <sum>, %convert_element_type3A masked %reduce_sum3A_118 : vector<16xi32>, vector<16xi1> -> vector<16xi32>
      %reduce_sum3A_120 = vector.extract %reduce_sum3A_119[15] : i32 from vector<16xi32>
      %eq3A_121 = arith.constant 0 : i32
      %eq3A_122 = vector.broadcast %eq3A_121 : i32 to vector<16xi32>
      %eq3A_123 = arith.cmpi eq, %iota3A, %eq3A_122 : vector<16xi32>
      %convert_element_type3A_124 = arith.extui %eq3A_123 : vector<16xi1> to vector<16xi32>
      %mul3A_125 = vector.broadcast %reduce_sum3A_120 : i32 to vector<16xi32>
      %mul3A_126 = arith.muli %mul3A_125, %convert_element_type3A_124 : vector<16xi32>
      %add3A_127 = arith.addi %while3A_59, %mul3A_126 : vector<16xi32>
      %eq3A_128 = arith.constant 1 : i32
      %eq3A_129 = vector.broadcast %eq3A_128 : i32 to vector<16xi32>
      %eq3A_130 = arith.cmpi eq, %shift_right_logical3A_114, %eq3A_129 : vector<16xi32>
      %convert_element_type3A_131 = arith.extui %eq3A_130 : vector<16xi1> to vector<16xi32>
      %reduce_sum3A_132 = arith.constant true
      %reduce_sum3A_133 = vector.broadcast %reduce_sum3A_132 : i1 to vector<16xi1>
      %reduce_sum3A_134 = tpu.scan <sum>, %convert_element_type3A_131 masked %reduce_sum3A_133 : vector<16xi32>, vector<16xi1> -> vector<16xi32>
      %reduce_sum3A_135 = vector.extract %reduce_sum3A_134[15] : i32 from vector<16xi32>
      %eq3A_136 = arith.constant 1 : i32
      %eq3A_137 = vector.broadcast %eq3A_136 : i32 to vector<16xi32>
      %eq3A_138 = arith.cmpi eq, %iota3A, %eq3A_137 : vector<16xi32>
      %convert_element_type3A_139 = arith.extui %eq3A_138 : vector<16xi1> to vector<16xi32>
      %mul3A_140 = vector.broadcast %reduce_sum3A_135 : i32 to vector<16xi32>
      %mul3A_141 = arith.muli %mul3A_140, %convert_element_type3A_139 : vector<16xi32>
      %add3A_142 = arith.addi %add3A_127, %mul3A_141 : vector<16xi32>
      %eq3A_143 = arith.constant 2 : i32
      %eq3A_144 = vector.broadcast %eq3A_143 : i32 to vector<16xi32>
      %eq3A_145 = arith.cmpi eq, %shift_right_logical3A_114, %eq3A_144 : vector<16xi32>
      %convert_element_type3A_146 = arith.extui %eq3A_145 : vector<16xi1> to vector<16xi32>
      %reduce_sum3A_147 = arith.constant true
      %reduce_sum3A_148 = vector.broadcast %reduce_sum3A_147 : i1 to vector<16xi1>
      %reduce_sum3A_149 = tpu.scan <sum>, %convert_element_type3A_146 masked %reduce_sum3A_148 : vector<16xi32>, vector<16xi1> -> vector<16xi32>
      %reduce_sum3A_150 = vector.extract %reduce_sum3A_149[15] : i32 from vector<16xi32>
      %eq3A_151 = arith.constant 2 : i32
      %eq3A_152 = vector.broadcast %eq3A_151 : i32 to vector<16xi32>
      %eq3A_153 = arith.cmpi eq, %iota3A, %eq3A_152 : vector<16xi32>
      %convert_element_type3A_154 = arith.extui %eq3A_153 : vector<16xi1> to vector<16xi32>
      %mul3A_155 = vector.broadcast %reduce_sum3A_150 : i32 to vector<16xi32>
      %mul3A_156 = arith.muli %mul3A_155, %convert_element_type3A_154 : vector<16xi32>
      %add3A_157 = arith.addi %add3A_142, %mul3A_156 : vector<16xi32>
      %eq3A_158 = arith.constant 3 : i32
      %eq3A_159 = vector.broadcast %eq3A_158 : i32 to vector<16xi32>
      %eq3A_160 = arith.cmpi eq, %shift_right_logical3A_114, %eq3A_159 : vector<16xi32>
      %convert_element_type3A_161 = arith.extui %eq3A_160 : vector<16xi1> to vector<16xi32>
      %reduce_sum3A_162 = arith.constant true
      %reduce_sum3A_163 = vector.broadcast %reduce_sum3A_162 : i1 to vector<16xi1>
      %reduce_sum3A_164 = tpu.scan <sum>, %convert_element_type3A_161 masked %reduce_sum3A_163 : vector<16xi32>, vector<16xi1> -> vector<16xi32>
      %reduce_sum3A_165 = vector.extract %reduce_sum3A_164[15] : i32 from vector<16xi32>
      %eq3A_166 = arith.constant 3 : i32
      %eq3A_167 = vector.broadcast %eq3A_166 : i32 to vector<16xi32>
      %eq3A_168 = arith.cmpi eq, %iota3A, %eq3A_167 : vector<16xi32>
      %convert_element_type3A_169 = arith.extui %eq3A_168 : vector<16xi1> to vector<16xi32>
      %mul3A_170 = vector.broadcast %reduce_sum3A_165 : i32 to vector<16xi32>
      %mul3A_171 = arith.muli %mul3A_170, %convert_element_type3A_169 : vector<16xi32>
      %add3A_172 = arith.addi %add3A_157, %mul3A_171 : vector<16xi32>
      %eq3A_173 = arith.constant 4 : i32
      %eq3A_174 = vector.broadcast %eq3A_173 : i32 to vector<16xi32>
      %eq3A_175 = arith.cmpi eq, %shift_right_logical3A_114, %eq3A_174 : vector<16xi32>
      %convert_element_type3A_176 = arith.extui %eq3A_175 : vector<16xi1> to vector<16xi32>
      %reduce_sum3A_177 = arith.constant true
      %reduce_sum3A_178 = vector.broadcast %reduce_sum3A_177 : i1 to vector<16xi1>
      %reduce_sum3A_179 = tpu.scan <sum>, %convert_element_type3A_176 masked %reduce_sum3A_178 : vector<16xi32>, vector<16xi1> -> vector<16xi32>
      %reduce_sum3A_180 = vector.extract %reduce_sum3A_179[15] : i32 from vector<16xi32>
      %eq3A_181 = arith.constant 4 : i32
      %eq3A_182 = vector.broadcast %eq3A_181 : i32 to vector<16xi32>
      %eq3A_183 = arith.cmpi eq, %iota3A, %eq3A_182 : vector<16xi32>
      %convert_element_type3A_184 = arith.extui %eq3A_183 : vector<16xi1> to vector<16xi32>
      %mul3A_185 = vector.broadcast %reduce_sum3A_180 : i32 to vector<16xi32>
      %mul3A_186 = arith.muli %mul3A_185, %convert_element_type3A_184 : vector<16xi32>
      %add3A_187 = arith.addi %add3A_172, %mul3A_186 : vector<16xi32>
      %eq3A_188 = arith.constant 5 : i32
      %eq3A_189 = vector.broadcast %eq3A_188 : i32 to vector<16xi32>
      %eq3A_190 = arith.cmpi eq, %shift_right_logical3A_114, %eq3A_189 : vector<16xi32>
      %convert_element_type3A_191 = arith.extui %eq3A_190 : vector<16xi1> to vector<16xi32>
      %reduce_sum3A_192 = arith.constant true
      %reduce_sum3A_193 = vector.broadcast %reduce_sum3A_192 : i1 to vector<16xi1>
      %reduce_sum3A_194 = tpu.scan <sum>, %convert_element_type3A_191 masked %reduce_sum3A_193 : vector<16xi32>, vector<16xi1> -> vector<16xi32>
      %reduce_sum3A_195 = vector.extract %reduce_sum3A_194[15] : i32 from vector<16xi32>
      %eq3A_196 = arith.constant 5 : i32
      %eq3A_197 = vector.broadcast %eq3A_196 : i32 to vector<16xi32>
      %eq3A_198 = arith.cmpi eq, %iota3A, %eq3A_197 : vector<16xi32>
      %convert_element_type3A_199 = arith.extui %eq3A_198 : vector<16xi1> to vector<16xi32>
      %mul3A_200 = vector.broadcast %reduce_sum3A_195 : i32 to vector<16xi32>
      %mul3A_201 = arith.muli %mul3A_200, %convert_element_type3A_199 : vector<16xi32>
      %add3A_202 = arith.addi %add3A_187, %mul3A_201 : vector<16xi32>
      %eq3A_203 = arith.constant 6 : i32
      %eq3A_204 = vector.broadcast %eq3A_203 : i32 to vector<16xi32>
      %eq3A_205 = arith.cmpi eq, %shift_right_logical3A_114, %eq3A_204 : vector<16xi32>
      %convert_element_type3A_206 = arith.extui %eq3A_205 : vector<16xi1> to vector<16xi32>
      %reduce_sum3A_207 = arith.constant true
      %reduce_sum3A_208 = vector.broadcast %reduce_sum3A_207 : i1 to vector<16xi1>
      %reduce_sum3A_209 = tpu.scan <sum>, %convert_element_type3A_206 masked %reduce_sum3A_208 : vector<16xi32>, vector<16xi1> -> vector<16xi32>
      %reduce_sum3A_210 = vector.extract %reduce_sum3A_209[15] : i32 from vector<16xi32>
      %eq3A_211 = arith.constant 6 : i32
      %eq3A_212 = vector.broadcast %eq3A_211 : i32 to vector<16xi32>
      %eq3A_213 = arith.cmpi eq, %iota3A, %eq3A_212 : vector<16xi32>
      %convert_element_type3A_214 = arith.extui %eq3A_213 : vector<16xi1> to vector<16xi32>
      %mul3A_215 = vector.broadcast %reduce_sum3A_210 : i32 to vector<16xi32>
      %mul3A_216 = arith.muli %mul3A_215, %convert_element_type3A_214 : vector<16xi32>
      %add3A_217 = arith.addi %add3A_202, %mul3A_216 : vector<16xi32>
      %eq3A_218 = arith.constant 7 : i32
      %eq3A_219 = vector.broadcast %eq3A_218 : i32 to vector<16xi32>
      %eq3A_220 = arith.cmpi eq, %shift_right_logical3A_114, %eq3A_219 : vector<16xi32>
      %convert_element_type3A_221 = arith.extui %eq3A_220 : vector<16xi1> to vector<16xi32>
      %reduce_sum3A_222 = arith.constant true
      %reduce_sum3A_223 = vector.broadcast %reduce_sum3A_222 : i1 to vector<16xi1>
      %reduce_sum3A_224 = tpu.scan <sum>, %convert_element_type3A_221 masked %reduce_sum3A_223 : vector<16xi32>, vector<16xi1> -> vector<16xi32>
      %reduce_sum3A_225 = vector.extract %reduce_sum3A_224[15] : i32 from vector<16xi32>
      %eq3A_226 = arith.constant 7 : i32
      %eq3A_227 = vector.broadcast %eq3A_226 : i32 to vector<16xi32>
      %eq3A_228 = arith.cmpi eq, %iota3A, %eq3A_227 : vector<16xi32>
      %convert_element_type3A_229 = arith.extui %eq3A_228 : vector<16xi1> to vector<16xi32>
      %mul3A_230 = vector.broadcast %reduce_sum3A_225 : i32 to vector<16xi32>
      %mul3A_231 = arith.muli %mul3A_230, %convert_element_type3A_229 : vector<16xi32>
      %add3A_232 = arith.addi %add3A_217, %mul3A_231 : vector<16xi32>
      %eq3A_233 = arith.constant 8 : i32
      %eq3A_234 = vector.broadcast %eq3A_233 : i32 to vector<16xi32>
      %eq3A_235 = arith.cmpi eq, %shift_right_logical3A_114, %eq3A_234 : vector<16xi32>
      %convert_element_type3A_236 = arith.extui %eq3A_235 : vector<16xi1> to vector<16xi32>
      %reduce_sum3A_237 = arith.constant true
      %reduce_sum3A_238 = vector.broadcast %reduce_sum3A_237 : i1 to vector<16xi1>
      %reduce_sum3A_239 = tpu.scan <sum>, %convert_element_type3A_236 masked %reduce_sum3A_238 : vector<16xi32>, vector<16xi1> -> vector<16xi32>
      %reduce_sum3A_240 = vector.extract %reduce_sum3A_239[15] : i32 from vector<16xi32>
      %eq3A_241 = arith.constant 8 : i32
      %eq3A_242 = vector.broadcast %eq3A_241 : i32 to vector<16xi32>
      %eq3A_243 = arith.cmpi eq, %iota3A, %eq3A_242 : vector<16xi32>
      %convert_element_type3A_244 = arith.extui %eq3A_243 : vector<16xi1> to vector<16xi32>
      %mul3A_245 = vector.broadcast %reduce_sum3A_240 : i32 to vector<16xi32>
      %mul3A_246 = arith.muli %mul3A_245, %convert_element_type3A_244 : vector<16xi32>
      %add3A_247 = arith.addi %add3A_232, %mul3A_246 : vector<16xi32>
      %eq3A_248 = arith.constant 9 : i32
      %eq3A_249 = vector.broadcast %eq3A_248 : i32 to vector<16xi32>
      %eq3A_250 = arith.cmpi eq, %shift_right_logical3A_114, %eq3A_249 : vector<16xi32>
      %convert_element_type3A_251 = arith.extui %eq3A_250 : vector<16xi1> to vector<16xi32>
      %reduce_sum3A_252 = arith.constant true
      %reduce_sum3A_253 = vector.broadcast %reduce_sum3A_252 : i1 to vector<16xi1>
      %reduce_sum3A_254 = tpu.scan <sum>, %convert_element_type3A_251 masked %reduce_sum3A_253 : vector<16xi32>, vector<16xi1> -> vector<16xi32>
      %reduce_sum3A_255 = vector.extract %reduce_sum3A_254[15] : i32 from vector<16xi32>
      %eq3A_256 = arith.constant 9 : i32
      %eq3A_257 = vector.broadcast %eq3A_256 : i32 to vector<16xi32>
      %eq3A_258 = arith.cmpi eq, %iota3A, %eq3A_257 : vector<16xi32>
      %convert_element_type3A_259 = arith.extui %eq3A_258 : vector<16xi1> to vector<16xi32>
      %mul3A_260 = vector.broadcast %reduce_sum3A_255 : i32 to vector<16xi32>
      %mul3A_261 = arith.muli %mul3A_260, %convert_element_type3A_259 : vector<16xi32>
      %add3A_262 = arith.addi %add3A_247, %mul3A_261 : vector<16xi32>
      %eq3A_263 = arith.constant 10 : i32
      %eq3A_264 = vector.broadcast %eq3A_263 : i32 to vector<16xi32>
      %eq3A_265 = arith.cmpi eq, %shift_right_logical3A_114, %eq3A_264 : vector<16xi32>
      %convert_element_type3A_266 = arith.extui %eq3A_265 : vector<16xi1> to vector<16xi32>
      %reduce_sum3A_267 = arith.constant true
      %reduce_sum3A_268 = vector.broadcast %reduce_sum3A_267 : i1 to vector<16xi1>
      %reduce_sum3A_269 = tpu.scan <sum>, %convert_element_type3A_266 masked %reduce_sum3A_268 : vector<16xi32>, vector<16xi1> -> vector<16xi32>
      %reduce_sum3A_270 = vector.extract %reduce_sum3A_269[15] : i32 from vector<16xi32>
      %eq3A_271 = arith.constant 10 : i32
      %eq3A_272 = vector.broadcast %eq3A_271 : i32 to vector<16xi32>
      %eq3A_273 = arith.cmpi eq, %iota3A, %eq3A_272 : vector<16xi32>
      %convert_element_type3A_274 = arith.extui %eq3A_273 : vector<16xi1> to vector<16xi32>
      %mul3A_275 = vector.broadcast %reduce_sum3A_270 : i32 to vector<16xi32>
      %mul3A_276 = arith.muli %mul3A_275, %convert_element_type3A_274 : vector<16xi32>
      %add3A_277 = arith.addi %add3A_262, %mul3A_276 : vector<16xi32>
      %eq3A_278 = arith.constant 11 : i32
      %eq3A_279 = vector.broadcast %eq3A_278 : i32 to vector<16xi32>
      %eq3A_280 = arith.cmpi eq, %shift_right_logical3A_114, %eq3A_279 : vector<16xi32>
      %convert_element_type3A_281 = arith.extui %eq3A_280 : vector<16xi1> to vector<16xi32>
      %reduce_sum3A_282 = arith.constant true
      %reduce_sum3A_283 = vector.broadcast %reduce_sum3A_282 : i1 to vector<16xi1>
      %reduce_sum3A_284 = tpu.scan <sum>, %convert_element_type3A_281 masked %reduce_sum3A_283 : vector<16xi32>, vector<16xi1> -> vector<16xi32>
      %reduce_sum3A_285 = vector.extract %reduce_sum3A_284[15] : i32 from vector<16xi32>
      %eq3A_286 = arith.constant 11 : i32
      %eq3A_287 = vector.broadcast %eq3A_286 : i32 to vector<16xi32>
      %eq3A_288 = arith.cmpi eq, %iota3A, %eq3A_287 : vector<16xi32>
      %convert_element_type3A_289 = arith.extui %eq3A_288 : vector<16xi1> to vector<16xi32>
      %mul3A_290 = vector.broadcast %reduce_sum3A_285 : i32 to vector<16xi32>
      %mul3A_291 = arith.muli %mul3A_290, %convert_element_type3A_289 : vector<16xi32>
      %add3A_292 = arith.addi %add3A_277, %mul3A_291 : vector<16xi32>
      %eq3A_293 = arith.constant 12 : i32
      %eq3A_294 = vector.broadcast %eq3A_293 : i32 to vector<16xi32>
      %eq3A_295 = arith.cmpi eq, %shift_right_logical3A_114, %eq3A_294 : vector<16xi32>
      %convert_element_type3A_296 = arith.extui %eq3A_295 : vector<16xi1> to vector<16xi32>
      %reduce_sum3A_297 = arith.constant true
      %reduce_sum3A_298 = vector.broadcast %reduce_sum3A_297 : i1 to vector<16xi1>
      %reduce_sum3A_299 = tpu.scan <sum>, %convert_element_type3A_296 masked %reduce_sum3A_298 : vector<16xi32>, vector<16xi1> -> vector<16xi32>
      %reduce_sum3A_300 = vector.extract %reduce_sum3A_299[15] : i32 from vector<16xi32>
      %eq3A_301 = arith.constant 12 : i32
      %eq3A_302 = vector.broadcast %eq3A_301 : i32 to vector<16xi32>
      %eq3A_303 = arith.cmpi eq, %iota3A, %eq3A_302 : vector<16xi32>
      %convert_element_type3A_304 = arith.extui %eq3A_303 : vector<16xi1> to vector<16xi32>
      %mul3A_305 = vector.broadcast %reduce_sum3A_300 : i32 to vector<16xi32>
      %mul3A_306 = arith.muli %mul3A_305, %convert_element_type3A_304 : vector<16xi32>
      %add3A_307 = arith.addi %add3A_292, %mul3A_306 : vector<16xi32>
      %eq3A_308 = arith.constant 13 : i32
      %eq3A_309 = vector.broadcast %eq3A_308 : i32 to vector<16xi32>
      %eq3A_310 = arith.cmpi eq, %shift_right_logical3A_114, %eq3A_309 : vector<16xi32>
      %convert_element_type3A_311 = arith.extui %eq3A_310 : vector<16xi1> to vector<16xi32>
      %reduce_sum3A_312 = arith.constant true
      %reduce_sum3A_313 = vector.broadcast %reduce_sum3A_312 : i1 to vector<16xi1>
      %reduce_sum3A_314 = tpu.scan <sum>, %convert_element_type3A_311 masked %reduce_sum3A_313 : vector<16xi32>, vector<16xi1> -> vector<16xi32>
      %reduce_sum3A_315 = vector.extract %reduce_sum3A_314[15] : i32 from vector<16xi32>
      %eq3A_316 = arith.constant 13 : i32
      %eq3A_317 = vector.broadcast %eq3A_316 : i32 to vector<16xi32>
      %eq3A_318 = arith.cmpi eq, %iota3A, %eq3A_317 : vector<16xi32>
      %convert_element_type3A_319 = arith.extui %eq3A_318 : vector<16xi1> to vector<16xi32>
      %mul3A_320 = vector.broadcast %reduce_sum3A_315 : i32 to vector<16xi32>
      %mul3A_321 = arith.muli %mul3A_320, %convert_element_type3A_319 : vector<16xi32>
      %add3A_322 = arith.addi %add3A_307, %mul3A_321 : vector<16xi32>
      %eq3A_323 = arith.constant 14 : i32
      %eq3A_324 = vector.broadcast %eq3A_323 : i32 to vector<16xi32>
      %eq3A_325 = arith.cmpi eq, %shift_right_logical3A_114, %eq3A_324 : vector<16xi32>
      %convert_element_type3A_326 = arith.extui %eq3A_325 : vector<16xi1> to vector<16xi32>
      %reduce_sum3A_327 = arith.constant true
      %reduce_sum3A_328 = vector.broadcast %reduce_sum3A_327 : i1 to vector<16xi1>
      %reduce_sum3A_329 = tpu.scan <sum>, %convert_element_type3A_326 masked %reduce_sum3A_328 : vector<16xi32>, vector<16xi1> -> vector<16xi32>
      %reduce_sum3A_330 = vector.extract %reduce_sum3A_329[15] : i32 from vector<16xi32>
      %eq3A_331 = arith.constant 14 : i32
      %eq3A_332 = vector.broadcast %eq3A_331 : i32 to vector<16xi32>
      %eq3A_333 = arith.cmpi eq, %iota3A, %eq3A_332 : vector<16xi32>
      %convert_element_type3A_334 = arith.extui %eq3A_333 : vector<16xi1> to vector<16xi32>
      %mul3A_335 = vector.broadcast %reduce_sum3A_330 : i32 to vector<16xi32>
      %mul3A_336 = arith.muli %mul3A_335, %convert_element_type3A_334 : vector<16xi32>
      %add3A_337 = arith.addi %add3A_322, %mul3A_336 : vector<16xi32>
      %eq3A_338 = arith.constant 15 : i32
      %eq3A_339 = vector.broadcast %eq3A_338 : i32 to vector<16xi32>
      %eq3A_340 = arith.cmpi eq, %shift_right_logical3A_114, %eq3A_339 : vector<16xi32>
      %convert_element_type3A_341 = arith.extui %eq3A_340 : vector<16xi1> to vector<16xi32>
      %reduce_sum3A_342 = arith.constant true
      %reduce_sum3A_343 = vector.broadcast %reduce_sum3A_342 : i1 to vector<16xi1>
      %reduce_sum3A_344 = tpu.scan <sum>, %convert_element_type3A_341 masked %reduce_sum3A_343 : vector<16xi32>, vector<16xi1> -> vector<16xi32>
      %reduce_sum3A_345 = vector.extract %reduce_sum3A_344[15] : i32 from vector<16xi32>
      %eq3A_346 = arith.constant 15 : i32
      %eq3A_347 = vector.broadcast %eq3A_346 : i32 to vector<16xi32>
      %eq3A_348 = arith.cmpi eq, %iota3A, %eq3A_347 : vector<16xi32>
      %convert_element_type3A_349 = arith.extui %eq3A_348 : vector<16xi1> to vector<16xi32>
      %mul3A_350 = vector.broadcast %reduce_sum3A_345 : i32 to vector<16xi32>
      %mul3A_351 = arith.muli %mul3A_350, %convert_element_type3A_349 : vector<16xi32>
      %add3A_352 = arith.addi %add3A_337, %mul3A_351 : vector<16xi32>
      %eq3A_353 = arith.constant 16 : i32
      %eq3A_354 = vector.broadcast %eq3A_353 : i32 to vector<16xi32>
      %eq3A_355 = arith.cmpi eq, %shift_right_logical3A_114, %eq3A_354 : vector<16xi32>
      %convert_element_type3A_356 = arith.extui %eq3A_355 : vector<16xi1> to vector<16xi32>
      %reduce_sum3A_357 = arith.constant true
      %reduce_sum3A_358 = vector.broadcast %reduce_sum3A_357 : i1 to vector<16xi1>
      %reduce_sum3A_359 = tpu.scan <sum>, %convert_element_type3A_356 masked %reduce_sum3A_358 : vector<16xi32>, vector<16xi1> -> vector<16xi32>
      %reduce_sum3A_360 = vector.extract %reduce_sum3A_359[15] : i32 from vector<16xi32>
      %eq3A_361 = arith.constant 0 : i32
      %eq3A_362 = vector.broadcast %eq3A_361 : i32 to vector<16xi32>
      %eq3A_363 = arith.cmpi eq, %iota3A, %eq3A_362 : vector<16xi32>
      %convert_element_type3A_364 = arith.extui %eq3A_363 : vector<16xi1> to vector<16xi32>
      %mul3A_365 = vector.broadcast %reduce_sum3A_360 : i32 to vector<16xi32>
      %mul3A_366 = arith.muli %mul3A_365, %convert_element_type3A_364 : vector<16xi32>
      %add3A_367 = arith.addi %while3A_60, %mul3A_366 : vector<16xi32>
      %eq3A_368 = arith.constant 17 : i32
      %eq3A_369 = vector.broadcast %eq3A_368 : i32 to vector<16xi32>
      %eq3A_370 = arith.cmpi eq, %shift_right_logical3A_114, %eq3A_369 : vector<16xi32>
      %convert_element_type3A_371 = arith.extui %eq3A_370 : vector<16xi1> to vector<16xi32>
      %reduce_sum3A_372 = arith.constant true
      %reduce_sum3A_373 = vector.broadcast %reduce_sum3A_372 : i1 to vector<16xi1>
      %reduce_sum3A_374 = tpu.scan <sum>, %convert_element_type3A_371 masked %reduce_sum3A_373 : vector<16xi32>, vector<16xi1> -> vector<16xi32>
      %reduce_sum3A_375 = vector.extract %reduce_sum3A_374[15] : i32 from vector<16xi32>
      %eq3A_376 = arith.constant 1 : i32
      %eq3A_377 = vector.broadcast %eq3A_376 : i32 to vector<16xi32>
      %eq3A_378 = arith.cmpi eq, %iota3A, %eq3A_377 : vector<16xi32>
      %convert_element_type3A_379 = arith.extui %eq3A_378 : vector<16xi1> to vector<16xi32>
      %mul3A_380 = vector.broadcast %reduce_sum3A_375 : i32 to vector<16xi32>
      %mul3A_381 = arith.muli %mul3A_380, %convert_element_type3A_379 : vector<16xi32>
      %add3A_382 = arith.addi %add3A_367, %mul3A_381 : vector<16xi32>
      %eq3A_383 = arith.constant 18 : i32
      %eq3A_384 = vector.broadcast %eq3A_383 : i32 to vector<16xi32>
      %eq3A_385 = arith.cmpi eq, %shift_right_logical3A_114, %eq3A_384 : vector<16xi32>
      %convert_element_type3A_386 = arith.extui %eq3A_385 : vector<16xi1> to vector<16xi32>
      %reduce_sum3A_387 = arith.constant true
      %reduce_sum3A_388 = vector.broadcast %reduce_sum3A_387 : i1 to vector<16xi1>
      %reduce_sum3A_389 = tpu.scan <sum>, %convert_element_type3A_386 masked %reduce_sum3A_388 : vector<16xi32>, vector<16xi1> -> vector<16xi32>
      %reduce_sum3A_390 = vector.extract %reduce_sum3A_389[15] : i32 from vector<16xi32>
      %eq3A_391 = arith.constant 2 : i32
      %eq3A_392 = vector.broadcast %eq3A_391 : i32 to vector<16xi32>
      %eq3A_393 = arith.cmpi eq, %iota3A, %eq3A_392 : vector<16xi32>
      %convert_element_type3A_394 = arith.extui %eq3A_393 : vector<16xi1> to vector<16xi32>
      %mul3A_395 = vector.broadcast %reduce_sum3A_390 : i32 to vector<16xi32>
      %mul3A_396 = arith.muli %mul3A_395, %convert_element_type3A_394 : vector<16xi32>
      %add3A_397 = arith.addi %add3A_382, %mul3A_396 : vector<16xi32>
      %eq3A_398 = arith.constant 19 : i32
      %eq3A_399 = vector.broadcast %eq3A_398 : i32 to vector<16xi32>
      %eq3A_400 = arith.cmpi eq, %shift_right_logical3A_114, %eq3A_399 : vector<16xi32>
      %convert_element_type3A_401 = arith.extui %eq3A_400 : vector<16xi1> to vector<16xi32>
      %reduce_sum3A_402 = arith.constant true
      %reduce_sum3A_403 = vector.broadcast %reduce_sum3A_402 : i1 to vector<16xi1>
      %reduce_sum3A_404 = tpu.scan <sum>, %convert_element_type3A_401 masked %reduce_sum3A_403 : vector<16xi32>, vector<16xi1> -> vector<16xi32>
      %reduce_sum3A_405 = vector.extract %reduce_sum3A_404[15] : i32 from vector<16xi32>
      %eq3A_406 = arith.constant 3 : i32
      %eq3A_407 = vector.broadcast %eq3A_406 : i32 to vector<16xi32>
      %eq3A_408 = arith.cmpi eq, %iota3A, %eq3A_407 : vector<16xi32>
      %convert_element_type3A_409 = arith.extui %eq3A_408 : vector<16xi1> to vector<16xi32>
      %mul3A_410 = vector.broadcast %reduce_sum3A_405 : i32 to vector<16xi32>
      %mul3A_411 = arith.muli %mul3A_410, %convert_element_type3A_409 : vector<16xi32>
      %add3A_412 = arith.addi %add3A_397, %mul3A_411 : vector<16xi32>
      scf.yield %add3A_352, %add3A_412 : vector<16xi32>, vector<16xi32>
    }
    %add3A_34 = arith.constant 7 : i32
    %add3A_35 = vector.broadcast %add3A_34 : i32 to vector<16xi32>
    %add3A_36 = arith.addi %while3A_33#0, %add3A_35 : vector<16xi32>
    %shift_right_logical3A = arith.constant 3 : i32
    %shift_right_logical3A_37 = vector.broadcast %shift_right_logical3A : i32 to vector<16xi32>
    %shift_right_logical3A_38 = arith.shrui %add3A_36, %shift_right_logical3A_37 : vector<16xi32>
    %shift_left3A = arith.constant 3 : i32
    %shift_left3A_39 = vector.broadcast %shift_left3A : i32 to vector<16xi32>
    %shift_left3A_40 = arith.shli %shift_right_logical3A_38, %shift_left3A_39 : vector<16xi32>
    %swap3A = arith.constant 0 : index
    %swap3A_41 = tpu.vector_load %arg15[%swap3A] {strides = array<i32>} : memref<32xi32, #tpu.memory_space<vmem>>, vector<16xi32>,
    tpu.vector_store %arg15[%swap3A], %shift_left3A_40 {strides = array<i32>} : memref<32xi32, #tpu.memory_space<vmem>>, vector<16xi32>,
    %lt3A = arith.constant 4 : i32
    %lt3A_42 = vector.broadcast %lt3A : i32 to vector<16xi32>
    %lt3A_43 = arith.cmpi slt, %iota3A, %lt3A_42 : vector<16xi32>
    %add3A_44 = arith.constant 7 : i32
    %add3A_45 = vector.broadcast %add3A_44 : i32 to vector<16xi32>
    %add3A_46 = arith.addi %while3A_33#1, %add3A_45 : vector<16xi32>
    %shift_right_logical3A_47 = arith.constant 3 : i32
    %shift_right_logical3A_48 = vector.broadcast %shift_right_logical3A_47 : i32 to vector<16xi32>
    %shift_right_logical3A_49 = arith.shrui %add3A_46, %shift_right_logical3A_48 : vector<16xi32>
    %shift_left3A_50 = arith.constant 3 : i32
    %shift_left3A_51 = vector.broadcast %shift_left3A_50 : i32 to vector<16xi32>
    %shift_left3A_52 = arith.shli %shift_right_logical3A_49, %shift_left3A_51 : vector<16xi32>
    %jit3A_53 = arith.constant 0 : i32
    %broadcast_in_dim3A_54 = vector.broadcast %jit3A_53 : i32 to vector<16xi32>
    %select_n3A_55 = arith.select %lt3A_43, %shift_left3A_52, %broadcast_in_dim3A_54 : vector<16xi1>, vector<16xi32>
    %swap3A_56 = arith.constant 16 : index
    %swap3A_57 = tpu.vector_load %arg15[%swap3A_56] {strides = array<i32>} : memref<32xi32, #tpu.memory_space<vmem>>, vector<16xi32>,
    tpu.vector_store %arg15[%swap3A_56], %select_n3A_55 {strides = array<i32>} : memref<32xi32, #tpu.memory_space<vmem>>, vector<16xi32>,
    "tpu.region"() ({
      %run_scoped3A = tpu.sem_alloc : memref<!tpu.dma_semaphore, #tpu.memory_space<semaphore_mem>>
      %dma_start3A = arith.constant 0 : i32
      %dma_start3A_58 = tpu.memref_slice %arg8[%add3A, %dma_start3A] : memref<32x32xi32, #tpu.memory_space<hbm>> -> memref<1x32xi32, #tpu.memory_space<hbm>>
      %dma_start3A_59 = tpu.memref_squeeze %dma_start3A_58 : memref<1x32xi32, #tpu.memory_space<hbm>> -> memref<32xi32, #tpu.memory_space<hbm>>
      %dma_start3A_60 = arith.constant 0 : i32
      %dma_start3A_61 = tpu.memref_slice %arg8[%add3A, %dma_start3A_60] : memref<32x32xi32, #tpu.memory_space<hbm>> -> memref<1x32xi32, #tpu.memory_space<hbm>>
      %dma_start3A_62 = tpu.memref_squeeze %dma_start3A_61 : memref<1x32xi32, #tpu.memory_space<hbm>> -> memref<32xi32, #tpu.memory_space<hbm>>
      tpu.enqueue_dma source(%arg15 : memref<32xi32, #tpu.memory_space<vmem>>) target(%dma_start3A_62 : memref<32xi32, #tpu.memory_space<hbm>>) target_semaphore(%run_scoped3A : memref<!tpu.dma_semaphore, #tpu.memory_space<semaphore_mem>>)
      %dma_wait3A = arith.constant 0 : i32
      %dma_wait3A_63 = tpu.memref_slice %arg8[%add3A, %dma_wait3A] : memref<32x32xi32, #tpu.memory_space<hbm>> -> memref<1x32xi32, #tpu.memory_space<hbm>>
      %dma_wait3A_64 = tpu.memref_squeeze %dma_wait3A_63 : memref<1x32xi32, #tpu.memory_space<hbm>> -> memref<32xi32, #tpu.memory_space<hbm>>
      %dma_wait3A_65 = arith.constant 0 : i32
      %dma_wait3A_66 = tpu.memref_slice %arg8[%add3A, %dma_wait3A_65] : memref<32x32xi32, #tpu.memory_space<hbm>> -> memref<1x32xi32, #tpu.memory_space<hbm>>
      %dma_wait3A_67 = tpu.memref_squeeze %dma_wait3A_66 : memref<1x32xi32, #tpu.memory_space<hbm>> -> memref<32xi32, #tpu.memory_space<hbm>>
      tpu.wait_dma2 semaphore(%run_scoped3A : memref<!tpu.dma_semaphore, #tpu.memory_space<semaphore_mem>>) src(%arg15 : memref<32xi32, #tpu.memory_space<vmem>>) dst(%dma_wait3A_67 : memref<32xi32, #tpu.memory_space<hbm>>)
      tpu.yield
    }) : () -> ()
    "tpu.region"() ({
      %run_scoped3A = tpu.sem_alloc : memref<!tpu.dma_semaphore, #tpu.memory_space<semaphore_mem>>
      %dma_start3A = tpu.memref_slice %arg6[%mul3A_2] : memref<160256xf32, #tpu.memory_space<hbm>> -> memref<5008xf32, #tpu.memory_space<hbm>>
      %dma_start3A_58 = tpu.memref_slice %arg6[%mul3A_2] : memref<160256xf32, #tpu.memory_space<hbm>> -> memref<5008xf32, #tpu.memory_space<hbm>>
      tpu.enqueue_dma source(%arg13 : memref<5008xf32, #tpu.memory_space<vmem>>) target(%dma_start3A_58 : memref<5008xf32, #tpu.memory_space<hbm>>) target_semaphore(%run_scoped3A : memref<!tpu.dma_semaphore, #tpu.memory_space<semaphore_mem>>)
      %dma_wait3A = tpu.memref_slice %arg6[%mul3A_2] : memref<160256xf32, #tpu.memory_space<hbm>> -> memref<5008xf32, #tpu.memory_space<hbm>>
      %dma_wait3A_59 = tpu.memref_slice %arg6[%mul3A_2] : memref<160256xf32, #tpu.memory_space<hbm>> -> memref<5008xf32, #tpu.memory_space<hbm>>
      tpu.wait_dma2 semaphore(%run_scoped3A : memref<!tpu.dma_semaphore, #tpu.memory_space<semaphore_mem>>) src(%arg13 : memref<5008xf32, #tpu.memory_space<vmem>>) dst(%dma_wait3A_59 : memref<5008xf32, #tpu.memory_space<hbm>>)
      tpu.yield
    }) : () -> ()
    "tpu.region"() ({
      %run_scoped3A = tpu.sem_alloc : memref<!tpu.dma_semaphore, #tpu.memory_space<semaphore_mem>>
      %dma_start3A = tpu.memref_slice %arg7[%mul3A_2] : memref<160256xi32, #tpu.memory_space<hbm>> -> memref<5008xi32, #tpu.memory_space<hbm>>
      %dma_start3A_58 = tpu.memref_slice %arg7[%mul3A_2] : memref<160256xi32, #tpu.memory_space<hbm>> -> memref<5008xi32, #tpu.memory_space<hbm>>
      tpu.enqueue_dma source(%arg14 : memref<5008xi32, #tpu.memory_space<vmem>>) target(%dma_start3A_58 : memref<5008xi32, #tpu.memory_space<hbm>>) target_semaphore(%run_scoped3A : memref<!tpu.dma_semaphore, #tpu.memory_space<semaphore_mem>>)
      %dma_wait3A = tpu.memref_slice %arg7[%mul3A_2] : memref<160256xi32, #tpu.memory_space<hbm>> -> memref<5008xi32, #tpu.memory_space<hbm>>
      %dma_wait3A_59 = tpu.memref_slice %arg7[%mul3A_2] : memref<160256xi32, #tpu.memory_space<hbm>> -> memref<5008xi32, #tpu.memory_space<hbm>>
      tpu.wait_dma2 semaphore(%run_scoped3A : memref<!tpu.dma_semaphore, #tpu.memory_space<semaphore_mem>>) src(%arg14 : memref<5008xi32, #tpu.memory_space<vmem>>) dst(%dma_wait3A_59 : memref<5008xi32, #tpu.memory_space<hbm>>)
      tpu.yield
    }) : () -> ()
    return
  }
}

</mosaic_0001>

<sc_bundles>
// kernel: _sc_prep.3.cloned.1.call-start
scs
__scs_entry_jumppad:
0x0: {  	(pc) =	sbr.rel $0x88, $3  }
0x1: {  	(tag) =	ssettag $0x0;
	lr =	simm.s32 $0x1  }
0x2: {  	[smem:$0x3F9D] =	sst lr;
	_ =	strace $0xD0000000  }
0x3: {  	_ = 	snop  }
0x4: {  	_ = 	snop  }
0x5: {  	_ = 	snop  }
0x6: {  	_ = 	snop  }
0x7: {  	_ = 	snop  }
__scs_overlays_trampoline_lowered:
0x8: {  	[smem:$0x3FAC] =	sst s0  }
0x9: {  	[smem:$0x3FAD] =	sst s1  }
0xa: {  	[smem:$0x3FAE] =	sst s2  }
0xb: {  	[smem:$0x3FAF] =	sst s3  }
0xc: {  	[smem:$0x3FB0] =	sst s4  }
0xd: {  	[smem:$0x3FB1] =	sst s5  }
0xe: {  	[smem:$0x3FB2] =	sst s6  }
0xf: {  	[smem:$0x3FB3] =	sst s7  }
0x10: {  	[smem:$0x3FB4] =	sst s8  }
0x11: {  	[smem:$0x3FB5] =	sst s9;
	s0 =	simm.s32 @!p0 $0x0  }
0x12: {  	s1 =	sld [smem:$0x3F9B];
	s0 =	simm.s32 @p0 $0x1  }
0x13: {  	[smem:$0x3FB6] =	sst s0;
	s0 =	simm.s32 @!p1 $0x0  }
0x14: {  	s2 =	sld [smem:$0x3F9A];
	s0 =	simm.s32 @p1 $0x1  }
0x15: {  	[smem:$0x3FB7] =	sst s0;
	s0 =	simm.s32 @!p2 $0x0  }
0x16: {  	s3 =	sld [smem:$0x3FDB];
	s0 =	simm.s32 @p2 $0x1  }
0x17: {  	s4 =	simm.s32 $0x1BF5;
	[smem:$0x3FB9] =	sst s0  }
0x18: {  	s0 =	sld [smem:$0x3F9C];
	_ =	swait.ge [sflag:s4], $0x0  }
0x19: {  	s7 =	sld [smem:$0x3F9D]  }
0x1a: {  	s8 =	sadd.s32 $0xFFFFE003, lr  }
0x1b: {  	s9 =	sadd.s32 $0xFFFFFEF7, lr;
	s5 =	simm.s32 $0xFFFFFFFF;
	p2 =	slt.u32 s8, $0xFFFFF086  }
0x1c: {  	p1 =	slt.u32 s9, $0xF7A;
	s5 =	simm.s32 @!p2 $0x0  }
0x1d: {  	s5 =	simm.s32 @p1 $0x1;
	p0 =	seq.s32 s7, s2  }
0x1e: {  	s7 =	smul.u32 @!p0 $0xF7A, s2;
	p2 =	seq.s32 @!p0 s5, $0x0  }
0x1f: {  	s9 =	smul.u32 $0xF7A, s1;
	s8 =	simm.s32 @!p0 $0x1BF5;
	p2 =	por !p2, p0  }
0x20: {  	[sflag:s8] =	ssyncset.s32 @!p0 $0xFFFFF086;
	s6 =	sadd.s32 @!p0 s3, s7;
	s7 =	simm.s32 @!p0 $0x108  }
0x21: {  	s3 =	sadd.s32 s3, s9;
	s6 =	sadd.s32 @!p0 $0x88, s6;
	s7 =	simm.s32 @p2 $0x1082  }
0x22: {  	[simem:s7], [sflag:s8] =	dma.local @!p0 [hbm:s6], $0xF7A  }
0x23: {  	s9 =	sor.u32 $0xD0000000, s2;
	s6 =	simm.s32 $0x108;
	_ =	swait.ge @!p0 [sflag:s8], $0x0  }
0x24: {  	s3 =	sadd.s32 $0x88, s3;
	s6 =	simm.s32 @!p1 $0x1082;
	[sflag:s4] =	ssyncset.s32 $0xFFFFF086  }
0x25: {  	[simem:s6], [sflag:s4] =	dma.local [hbm:s3], $0xF7A  }
0x26: {  	[smem:$0x3F9D] =	sst s1;
	(tag) =	ssettag s2;
	_ =	strace s9  }
0x27: {  	s1 =	sld [smem:$0x3FAD]  }
0x28: {  	s2 =	sld [smem:$0x3FAE]  }
0x29: {  	s4 =	sld [smem:$0x3FB0]  }
0x2a: {  	p0 =	seq.s32 s5, $0x0;
	s5 =	sld [smem:$0x3FB1]  }
0x2b: {  	s6 =	sld [smem:$0x3FB2]  }
0x2c: {  	s7 =	sld [smem:$0x3FB3]  }
0x2d: {  	s3 =	simm.s32 $0x108;
	s8 =	sld [smem:$0x3FB4]  }
0x2e: {  	s3 =	simm.s32 @!p0 $0x1082;
	s9 =	sld [smem:$0x3FB5]  }
0x2f: {  	lr =	sadd.s32 s0, s3;
	s0 =	sld [smem:$0x3FAC]  }
0x30: {  	s3 =	sld [smem:$0x3FAF]  }
0x31: {  	[smem:$0x3FB8] =	sst s10  }
0x32: {  	s10 =	sld [smem:$0x3FB6];
	_ =	sdelay $0x3  }
0x33: {  	p0 =	seq.s32 s10, $0x1;
	s10 =	sld [smem:$0x3FB8];
	_ =	sdelay $0x3  }
0x34: {  	[smem:$0x3FB8] =	sst s10  }
0x35: {  	s10 =	sld [smem:$0x3FB7];
	_ =	sdelay $0x3  }
0x36: {  	p1 =	seq.s32 s10, $0x1;
	s10 =	sld [smem:$0x3FB8];
	_ =	sdelay $0x3  }
0x37: {  	[smem:$0x3FB8] =	sst s10  }
0x38: {  	s10 =	sld [smem:$0x3FB9]  }
0x39: {  	_ = 	snop;
	(pc) =	sbr.ind lr, $3  }
0x3a: {  	_ = 	snop  }
0x3b: {  	_ = 	snop  }
0x3c: {  	p2 =	seq.s32 s10, $0x1;
	s10 =	sld [smem:$0x3FB8]  }
0x3d: {  	_ =	shalt  }
0x3e: {  	_ =	shalt  }
0x3f: {  	_ =	shalt  }
0x40: {  	_ =	shalt  }
0x41: {  	_ =	shalt  }
0x42: {  	_ =	shalt  }
0x43: {  	_ =	shalt  }
0x44: {  	_ =	shalt  }
0x45: {  	_ =	shalt  }
0x46: {  	_ =	shalt  }
0x47: {  	_ =	shalt  }
0x48: {  	_ =	shalt  }
0x49: {  	_ =	shalt  }
0x4a: {  	_ =	shalt  }
0x4b: {  	_ =	shalt  }
0x4c: {  	_ =	shalt  }
0x4d: {  	_ =	shalt  }
0x4e: {  	_ =	shalt  }
0x4f: {  	_ =	shalt  }
0x50: {  	_ =	shalt  }
0x51: {  	_ =	shalt  }
0x52: {  	_ =	shalt  }
0x53: {  	_ =	shalt  }
0x54: {  	_ =	shalt  }
0x55: {  	_ =	shalt  }
0x56: {  	_ =	shalt  }
0x57: {  	_ =	shalt  }
0x58: {  	_ =	shalt  }
0x59: {  	_ =	shalt  }
0x5a: {  	_ =	shalt  }
0x5b: {  	_ =	shalt  }
0x5c: {  	_ =	shalt  }
0x5d: {  	_ =	shalt  }
0x5e: {  	_ =	shalt  }
0x5f: {  	_ =	shalt  }
0x60: {  	_ =	shalt  }
0x61: {  	_ =	shalt  }
0x62: {  	_ =	shalt  }
0x63: {  	_ =	shalt  }
0x64: {  	_ =	shalt  }
0x65: {  	_ =	shalt  }
0x66: {  	_ =	shalt  }
0x67: {  	_ =	shalt  }
0x68: {  	_ =	shalt  }
0x69: {  	_ =	shalt  }
0x6a: {  	_ =	shalt  }
0x6b: {  	_ =	shalt  }
0x6c: {  	_ =	shalt  }
0x6d: {  	_ =	shalt  }
0x6e: {  	_ =	shalt  }
0x6f: {  	_ =	shalt  }
0x70: {  	_ =	shalt  }
0x71: {  	_ =	shalt  }
0x72: {  	_ =	shalt  }
0x73: {  	_ =	shalt  }
0x74: {  	_ =	shalt  }
0x75: {  	_ =	shalt  }
0x76: {  	_ =	shalt  }
0x77: {  	_ =	shalt  }
0x78: {  	_ =	shalt  }
0x79: {  	_ =	shalt  }
0x7a: {  	_ =	shalt  }
0x7b: {  	_ =	shalt  }
0x7c: {  	_ =	shalt  }
0x7d: {  	_ =	shalt  }
0x7e: {  	_ =	shalt  }
0x7f: {  	_ =	shalt  }
0x80: {  	_ =	shalt  }
0x81: {  	_ =	shalt  }
0x82: {  	_ =	shalt  }
0x83: {  	_ =	shalt  }
0x84: {  	_ =	shalt  }
0x85: {  	_ =	shalt  }
0x86: {  	_ =	shalt  }
0x87: {  	_ =	shalt  }
.Lfunc_end0:
.L_simem_size_0:
called_computation_lowered:
.L_overlay_start_0:
0x88: {  	s2 =	sld [smem:$0x3FD9]  }
0x89: {  	s3 =	sld [smem:$0x3FFE];
	_ =	sdelay $0x1  }
0x8a: {  	s1 =	srdreg.scid  }
0x8b: {  	s0 =	sand.u32 $0x1, s1  }
0x8c: {  	s15 =	sshll.u32 s0, $0xA;
	s2 =	sadd.s32 s3, s2  }
0x8d: {  	s2 =	sadd.s32 s2, s15  }
0x8e: {  	[smem:$0x3FC4] =	sst s2  }
0x8f: {  	_ = 	snop  }
0x90: {  	s2 =	sld [smem:$0x3FC9]  }
0x91: {  	s16 =	sld [smem:$0x3FD0]  }
0x92: {  	s4 =	sld [smem:$0x3FC8]  }
0x93: {  	s5 =	sld [smem:$0x3FC7]  }
0x94: {  	s7 =	simm.s32 $0xA;
	s8 =	simm.s32 $0x10;
	s6 =	sld [smem:$0x3FC6]  }
0x95: {  	[smem:s8], [sflag:s7] =	dma.local [hbm:s16], $0x1  }
0x96: {  	_ =	swait.eq [sflag:s7], $0x1  }
0x97: {  	s17 =	sld [smem:$0x10];
	[sflag:s7] =	ssyncset.done $0x0  }
0x98: {  	s18 =	sld [smem:$0x11];
	[sflag:s7] =	ssyncadd.s32 $0xFFFFFFFF  }
0x99: {  	s19 =	sld [smem:$0x12];
	(tm) =	ssettm $0x1  }
0x9a: {  	s9 =	sld [smem:$0x3FFB];
	_ =	sdelay $0x3  }
0x9b: {  	_ =	strace s9  }
0x9c: {  	s9 =	sld [smem:$0x3FFC];
	_ =	sdelay $0x3  }
0x9d: {  	_ =	strace s9  }
0x9e: {  	s9 =	sld [smem:$0x3FFD];
	_ =	sdelay $0x3  }
0x9f: {  	_ =	strace s9  }
0xa0: {  	_ =	strace $0x8FFFFFFF  }
0xa1: {  	s20 =	sld [smem:$0x3FDB];
	_ =	sdelay $0x1  }
0xa2: {  	s10 =	simm.s32 $_scs_section_size  }
0xa3: {  	s11 =	simm.s32 $_size__tile_overlayer_lowered;
	s12 =	simm.s32 $_tile_overlayer_lowered  }
0xa4: {  	s23 =	simm.s32 $0x1BFF;
	s22 =	sshll.u32 s12, $0x1;
	s9 =	sadd.s32 s10, s20  }
0xa5: {  	s13 =	simm.s32 $0x0;
	s21 =	sshll.u32 s11, $0x1;
	s11 =	sadd.s32 s22, s9  }
0xa6: {  	[timem:s13], [sflag:s23] =	dma.local [hbm:s11], s21  }
0xa7: {  	_ =	swait.ge [sflag:s23], s21  }
0xa8: {  	s10 =	ssub.s32 $0x0, s21;
	[sflag:s23] =	ssyncset.done $0x0  }
0xa9: {  	[sflag:s23] =	ssyncadd.s32 s10;
	_ =	sdelay $0x1  }
0xaa: {  	s24 =	simm.s32 $0x1B8B  }
0xab: {  	_ =	swait.ge [sflag:s24], $0x1  }
0xac: {  	[sflag:s24] =	ssyncset.done $0x0  }
0xad: {  	s25 =	simm.s32 $0x1B8E;
	[sflag:s24] =	ssyncadd.s32 $0xFFFFFFFF  }
0xae: {  	s26 =	simm.s32 $execute0_lowered;
	[smem:$0x3FD2] =	sst s25  }
0xaf: {  	s10 =	sshll.u32 s26, $0x1;
	_ =	strace $0x80000046;
	[dreg:$0x1] =	wrdreg $0xFFFFFFFF  }
0xb0: {  	s28 =	simm.s32 $_size_execute0_lowered;
	s9 =	sadd.s32 s9, s10;
	[dreg:$0x0] =	wrdreg $0x0  }
0xb1: {  	s10 =	sshll.u32 s28, $0x1;
	[dreg:$0x2] =	wrdreg s9  }
0xb2: {  	[dreg:$0x3] =	wrdreg s10  }
0xb3: {  	[dreg:$0x4] =	wrdreg $0xC0  }
0xb4: {  	_ =	task [dreg:s13], $0x5FFFF  }
0xb5: {  	[dreg:$0x1] =	wrdreg $0xFFFFFFFF  }
0xb6: {  	[dreg:$0x0] =	wrdreg $0x60  }
0xb7: {  	[dreg:$0x2] =	wrdreg s2  }
0xb8: {  	[dreg:$0x3] =	wrdreg s4  }
0xb9: {  	[dreg:$0x4] =	wrdreg s5  }
0xba: {  	[dreg:$0x5] =	wrdreg s6  }
0xbb: {  	[dreg:$0x6] =	wrdreg s17  }
0xbc: {  	[dreg:$0x7] =	wrdreg s18  }
0xbd: {  	[dreg:$0x8] =	wrdreg s19  }
0xbe: {  	[dreg:$0x9] =	wrdreg $0x9  }
0xbf: {  	_ =	task.clear_ibuf [dreg:s13], $0xAFFFF;
	_ =	strace $0x90000046  }
0xc0: {  	s29 =	simm.s32 $0x9;
	_ =	strace $0x80000048  }
0xc1: {  	_ =	swait.ge [sflag:s29], $0x1  }
0xc2: {  	[sflag:s29] =	ssyncadd.s32 $0xFFFFFFFF  }
0xc3: {  	_ =	strace $0x90000048  }
0xc4: {  	_ =	sfence  }
0xc5: {  	s30 =	sld [smem:$0x0];
	_ =	sdelay $0x2  }
0xc6: {  	s31 =	sshll.u32 s1, $0xD;
	s1 =	sshrl.u32 s1, $0x2  }
0xc7: {  	s3 =	sand.u32 $0x4000, s31;
	s1 =	sadd.s32 s1, s30  }
0xc8: {  	s0 =	sor.u32 s3, s0;
	s1 =	sshll.u32 s1, $0x11  }
0xc9: {  	s0 =	sor.u32 s1, s0  }
0xca: {  	s0 =	sadd.s32 $0x8F2B, s0  }
0xcb: {  	[sflag:s0] =	ssyncadd.remote.s32 $0x1  }
0xcc: {  	_ =	sfence.sel $0xFFFF  }
0xcd: {  	[dreg:$0x0] =	wrdreg $0xFFFFFFFF;
	(pc) =	sbr.abs _section_cstart, $3  }
0xce: {  	[dreg:$0x1] =	wrdreg $0xFFFFFFFF  }
0xcf: {  	_ =	task.clear_ibuf [dreg:s13], $0x2FFFF;
	_ =	strace $0x9FFFFFFF  }
0xd0: {  	(tm) =	ssettm $0x7FFFFFFF  }
0xd1: {  	_ =	shalt  }
tec
execute0_lowered:
.L_overlay_start_1:
0x0: {  	(tag) =	ssettag $0x1  }
0x1: {  	s6 =	rddreg [dreg:$0x0]  }
0x2: {  	s7 =	rddreg [dreg:$0x1]  }
0x3: {  	s0 =	rddreg [dreg:$0x2]  }
0x4: {  	s1 =	rddreg [dreg:$0x3]  }
0x5: {  	s9 =	rddreg [dreg:$0x4]  }
0x6: {  	s10 =	rddreg [dreg:$0x5];
	v0 =	vimm.s32 $0x0;
	vm0 =	vcmask $0x300  }
0x7: {  	vm1 =	vcmask $0x704;
	s8 =	rddreg [dreg:$0x6];
	vm2 =	vcmask $0x1310;
	v16 =	vimm.s32 $0xFFFFFFFF  }
0x8: {  	s2 =	rddreg [dreg:$0x7];
	s5 =	srdreg.scid;
	v1 =	vsel vm0, $0xFFFFFFFF, v0;
	v2 =	vsel vm1, $0xFFFFFFFF, v0;
	vm0 =	vcmask $0xB08  }
0x9: {  	s4 =	simm.s32 $0x0;
	s3 =	stileid.u32;
	s15 =	simm.s32 $0xC500;
	vm1 =	vcmask $0xF0C;
	v5 =	vsel vm2, $0xFFFFFFFF, v0;
	vm2 =	vcmask $0x1F1C  }
0xa: {  	s16 =	simm.s32 $0xD900;
	s17 =	simm.s32 $0x0;
	s5 =	sand.u32 $0x1, s5;
	v3 =	vsel vm0, $0xFFFFFFFF, v0;
	v4 =	vsel vm1, $0xFFFFFFFF, v0;
	vm0 =	vcmask $0x1714  }
0xb: {  	[smem:$0x7FF] =	sst s4;
	s12 =	sshll.u32 s3, $0x1;
	s11 =	ssub.s32 $0x2, s5;
	vm1 =	vcmask $0x1B18;
	v8 =	vsel vm2, $0xFFFFFFFF, v0;
	vm2 =	vcmask $0x2B28  }
0xc: {  	_ =	strace $0x80000047;
	s12 =	sor.u32 s5, s12;
	s5 =	simm.s32 $0x129;
	v6 =	vsel vm0, $0xFFFFFFFF, v0;
	v7 =	vsel vm1, $0xFFFFFFFF, v0;
	vm0 =	vcmask $0x2320  }
0xd: {  	s13 =	sshrl.u32 s11, $0x1;
	p0 =	seq.s32 s12, $0x1F;
	s14 =	smul.u32 $0x272, s12;
	vm1 =	vcmask $0x2724;
	v11 =	vsel vm2, $0xFFFFFFFF, v0;
	vm2 =	vcmask $0x3734  }
0xe: {  	s12 =	sshll.u32 s12, $0x4;
	s11 =	ssub.s32 s11, s13;
	s5 =	simm.s32 @!p0 $0x139;
	v9 =	vsel vm0, $0xFFFFFFFF, v0;
	v10 =	vsel vm1, $0xFFFFFFFF, v0;
	vm0 =	vcmask $0x2F2C  }
0xf: {  	s8 =	sadd.s32 s8, s12;
	vm1 =	vcmask $0x3330;
	v14 =	vsel vm2, $0xFFFFFFFF, v0;
	s12 =	simm.s32 $0x1;
	s13 =	simm.s32 $0x7580;
	v12 =	vsel vm0, $0xFFFFFFFF, v0  }
0x10: {  	s6 =	sadd.s32 s6, s14;
	s7 =	sadd.s32 s7, s14;
	s9 =	sadd.s32 s9, s14;
	v13 =	vsel vm1, $0xFFFFFFFF, v0;
	vm0 =	vcmask $0x3B38;
	vm1 =	vcmask $0x3B00  }
0x11: {  	s10 =	sadd.s32 s10, s14;
	s11 =	smax.u32 s11, $0x1;
	s14 =	simm.s32 $0xED00;
	v15 =	vsel vm0, $0xFFFFFFFF, v0;
	v16 =	vsel vm1, $0x0, v16;
	vm0 =	vmmov $0xf  }
.LBB2_1:
0x12: {  	[tilespmem:s4], [sflag:$0x1] =	stream.linear.gather [hbm4b:s0+s4], $0x7580, $0x38;
	[tilespmem:$0xED80] =	vst v63  }
0x13: {  	_ =	swait.ge [sflag:s12], $0x7580  }
0x14: {  	[sflag:s12] =	ssyncset.done $0x0  }
0x15: {  	[sflag:s12] =	ssyncadd.s32 $0xFFFF8A80  }
0x16: {  	[tilespmem:s13], [sflag:$0x1] =	stream.linear.gather [hbm4b:s1+s4], $0x2780, $0x38;
	[tilespmem:$0xED80] =	vst v63  }
0x17: {  	_ =	swait.ge [sflag:s12], $0x2780  }
0x18: {  	[sflag:s12] =	ssyncset.done $0x0  }
0x19: {  	s19 =	simm.s32 $0x9D00;
	[sflag:s12] =	ssyncadd.s32 $0xFFFFD880  }
0x1a: {  	[tilespmem:s19], [sflag:$0x1] =	stream.linear.gather [hbm4b:s6+s4], $0x1390, $0x38;
	[tilespmem:$0xED80] =	vst v63  }
0x1b: {  	_ =	swait.ge [sflag:s12], $0x1390  }
0x1c: {  	p3 =	sne.s32 s5, $0x1;
	[sflag:s12] =	ssyncset.done $0x0  }
.Ltmp0:
0x1d: {  	s18 =	simm.s32 $0xB100;
	[sflag:s12] =	ssyncadd.s32 $0xFFFFEC70;
	(pc) =	sbr.rel @!p3 .LBB2_2-.Ltmp0, $4  }
0x1e: {  	[tilespmem:s18], [sflag:$0x1] =	stream.linear.gather [hbm4b:s7+s4], $0x1390, $0x38;
	[tilespmem:$0xED80] =	vst v63  }
0x1f: {  	_ =	swait.ge [sflag:s12], $0x1390  }
0x20: {  	s20 =	sadd.s32 $0xFFFFFFFF, s5;
	p0 =	por $0x0, $0x0;
	[sflag:s12] =	ssyncset.done $0x0  }
0x21: {  	p1 =	por $0x0, $0x0;
	p2 =	por $0x0, $0x0;
	[sflag:s12] =	ssyncadd.s32 $0xFFFFEC70  }
0x22: {  	v17 =	vld [tilespmem:s19+$0x0]  }
0x23: {  	v19 =	vld [tilespmem:s18+$0x0];
	_ =	sdelay $0x3  }
0x24: {  	v20 =	vmul.u32 $0x3, v17  }
0x25: {  	v21 =	vmul.u32 $0x3, v19  }
0x26: {  	v18 =	vshrl.u32 v19, $0x9;
	v19 =	vshll.u32 v19, $0x4  }
0x27: {  	vm1 =	veq.s32 v18, $0x0;
	vm2 =	veq.s32 v18, $0x1;
	v22 =	vadd.s32 $0x1, v20  }
0x28: {  	vm3 =	veq.s32 v18, $0x2;
	v23 =	vadd.s32 $0x1, v21;
	v24 =	vsel vm1, $0x1, v0  }
0x29: {  	v25 =	vsel vm2, $0x1, v0;
	v26 =	vadd.s32 $0x2, v20;
	v27 =	vsel vm3, $0x1, v0;
	v17 =	vld.idx.msk [tilespmem:v17+s13+$0x0], $0xffff  }
0x2a: {  	vm1 =	veq.s32 v18, $0x3;
	v63 =	vadd.s32 $0x2, v21;
	vm2 =	veq.s32 v18, $0x6;
	(xrf0) =	vadd.scan.msk.s32 $0xffff, v24;
	v20 =	vld.idx.msk [tilespmem:v20+s4+$0x0], $0xffff  }
0x2b: {  	v28 =	vsel vm1, $0x1, v0;
	vm1 =	veq.s32 v18, $0x4;
	v29 =	vsel vm2, $0x1, v0;
	v21 =	vld.idx.msk [tilespmem:v21+s4+$0x0], $0xffff  }
0x2c: {  	vm2 =	veq.s32 v18, $0x9;
	(xrf0) =	vadd.scan.msk.s32 $0xffff, v25;
	v35 =	vsel vm1, $0x1, v0;
	vm1 =	veq.s32 v18, $0x5;
	v22 =	vld.idx.msk [tilespmem:v22+s4+$0x0], $0xffff  }
0x2d: {  	v31 =	vsel vm2, $0x1, v0;
	(xrf0) =	vadd.scan.msk.s32 $0xffff, v27;
	v27 =	vsel vm1, $0x1, v0;
	vm1 =	veq.s32 v18, $0x7;
	v23 =	vld.idx.msk [tilespmem:v23+s4+$0x0], $0xffff  }
0x2e: {  	vm2 =	veq.s32 v18, $0xC;
	(xrf0) =	vadd.scan.msk.s32 $0xffff, v28;
	v28 =	vsel vm1, $0x1, v0;
	vm1 =	veq.s32 v18, $0x8;
	v36 =	vld.idx.msk [tilespmem:v26+s4+$0x0], $0xffff  }
0x2f: {  	v34 =	vsel vm2, $0x1, v0;
	v30 =	vsel vm1, $0x1, v0;
	vm1 =	veq.s32 v18, $0xA;
	v24 =	vld.idx.msk [tilespmem:v63+s4+$0x0], $0xffff  }
0x30: {  	vm2 =	veq.s32 v18, $0xD;
	v37 =	vsel vm1, $0x1, v0;
	vm1 =	veq.s32 v18, $0xB;
	v32, _, _ =	vpop (xrf0)  }
0x31: {  	(xrf0) =	vadd.scan.msk.s32 $0xffff, v35;
	v33 =	vsel vm1, $0x1, v0;
	vm1 =	veq.s32 v18, $0xE;
	v32 =	vbroadcast v32, $0xF  }
0x32: {  	v40 =	vsel vm2, $0x1, v0;
	v17 =	vadd.s32 v19, v17;
	(xrf0) =	vadd.scan.msk.s32 $0xffff, v27;
	v35, _, _ =	vpop (xrf0);
	v51 =	vsel vm1, $0x1, v0  }
0x33: {  	(xrf0) =	vadd.scan.msk.s32 $0xffff, v29;
	v27 =	vbroadcast v35, $0xF;
	v38, _, _ =	vpop (xrf0);
	v20 =	vsub.f32 v20, v21;
	v29 =	vand.u32 v1, v32  }
0x34: {  	(xrf0) =	vadd.scan.msk.s32 $0xffff, v28;
	v39 =	vbroadcast v38, $0xF;
	v41, _, _ =	vpop (xrf0);
	v22 =	vsub.f32 v22, v23;
	v24 =	vsub.f32 v36, v24  }
0x35: {  	(xrf0) =	vadd.scan.msk.s32 $0xffff, v30;
	v42 =	vadd.s32 v0, v29;
	v27 =	vand.u32 v2, v27;
	v21 =	vbroadcast v41, $0xF  }
0x36: {  	(xrf0) =	vadd.scan.msk.s32 $0xffff, v31;
	v20 =	vmul.f32 v20, v20;
	v28 =	vand.u32 v3, v39;
	v22 =	vmul.f32 v22, v22  }
0x37: {  	v23 =	vadd.s32 v27, v42;
	v45 =	vmul.f32 v24, v24;
	v29, _, _ =	vpop (xrf0);
	(xrf0) =	vadd.scan.msk.s32 $0xffff, v37;
	v21 =	vand.u32 v4, v21  }
0x38: {  	v23 =	vadd.s32 v28, v23;
	v43 =	vbroadcast v29, $0xF;
	v44, _, _ =	vpop (xrf0);
	(xrf0) =	vadd.scan.msk.s32 $0xffff, v33;
	v20 =	vadd.f32 v22, v20  }
0x39: {  	vm1 =	veq.s32 v18, $0xF;
	v21 =	vadd.s32 v21, v23;
	v46, _, _ =	vpop (xrf0);
	(xrf0) =	vadd.scan.msk.s32 $0xffff, v34;
	v48 =	vbroadcast v44, $0xF  }
0x3a: {  	v47 =	vand.u32 v5, v43;
	v49, _, _ =	vpop (xrf0);
	v20 =	vadd.f32 v45, v20;
	v50 =	vbroadcast v46, $0xF;
	(xrf0) =	vadd.scan.msk.s32 $0xffff, v40  }
0x3b: {  	v27, _, _ =	vpop (xrf0);
	v21 =	vadd.s32 v47, v21;
	(xrf0) =	vadd.scan.msk.s32 $0xffff, v51;
	v19 =	vand.u32 v6, v48;
	v53 =	vbroadcast v49, $0xF  }
0x3c: {  	v52, _, _ =	vpop (xrf0);
	v19 =	vadd.s32 v19, v21;
	v55 =	vand.u32 v7, v50;
	v59 =	vbroadcast v27, $0xF  }
0x3d: {  	p3 =	sne.s32 s20, $0x1;
	v54, _, _ =	vpop (xrf0);
	v19 =	vadd.s32 v55, v19;
	v58 =	vand.u32 v8, v53;
	v60 =	vbroadcast v52, $0xF  }
.Ltmp1:
0x3e: {  	v57, _, _ =	vpop (xrf0);
	v19 =	vadd.s32 v58, v19;
	v61 =	vbroadcast v54, $0xF;
	v24 =	vand.u32 v9, v59;
	(pc) =	sbr.rel @!p3 .LBB2_4-.Ltmp1, $4  }
0x3f: {  	v56 =	vsel vm1, $0x1, v0;
	v27, _, _ =	vpop (xrf0);
	v62 =	vbroadcast v57, $0xF;
	v19 =	vadd.s32 v24, v19  }
0x40: {  	[tilespmem:s15+$0x0] =	vst v20;
	v21 =	vand.u32 v10, v60;
	v63 =	vbroadcast v27, $0xF;
	v20, _, _ =	vpop (xrf0);
	v23 =	vand.u32 v11, v61  }
0x41: {  	[tilespmem:s16+$0x0] =	vst v17;
	v19 =	vadd.s32 v21, v19;
	v17, _, _ =	vpop (xrf0);
	v29 =	vand.u32 v12, v62;
	v30 =	vbroadcast v20, $0xF  }
0x42: {  	s24 =	sadd.s32 $0xFFFFFFFF, s20;
	p0 =	por $0x1, $0x1;
	(xrf0) =	vadd.scan.msk.s32 $0xffff, v56;
	v33 =	vadd.s32 v23, v19;
	v32 =	vand.u32 v13, v63;
	v31 =	vbroadcast v17, $0xF  }
0x43: {  	s20 =	simm.s32 $0x9D10  }
0x44: {  	s21 =	simm.s32 $0xB110;
	v22 =	vld [tilespmem:s20+$0x0]  }
0x45: {  	v17 =	vadd.s32 v29, v33;
	v23 =	vld [tilespmem:s21+$0x0]  }
0x46: {  	v19 =	vand.u32 v14, v30;
	v17 =	vadd.s32 v32, v17  }
0x47: {  	vm1 =	veq.s32 v18, $0x10;
	v21 =	vand.u32 v15, v31;
	v17 =	vadd.s32 v19, v17  }
0x48: {  	v19 =	vsel vm1, $0x1, v0;
	vm1 =	veq.s32 v18, $0x11;
	v17 =	vadd.s32 v21, v17;
	v20, _, _ =	vpop (xrf0)  }
0x49: {  	v21 =	vsel vm1, $0x1, v0;
	(xrf0) =	vadd.scan.msk.s32 $0xffff, v19;
	v20 =	vbroadcast v20, $0xF;
	v24 =	vmul.u32 $0x3, v22  }
0x4a: {  	vm2 =	veq.s32 v18, $0x13;
	vm1 =	veq.s32 v18, $0x12;
	(xrf0) =	vadd.scan.msk.s32 $0xffff, v21;
	v21 =	vmul.u32 $0x3, v23  }
0x4b: {  	v19 =	vsel vm2, $0x1, v0;
	v18 =	vshrl.u32 v23, $0x9;
	v20 =	vand.u32 v16, v20  }
0x4c: {  	v27 =	vadd.s32 $0x2, v24;
	v25 =	vadd.s32 v20, v17;
	v17 =	vsel vm1, $0x1, v0  }
0x4d: {  	vm2 =	veq.s32 v18, $0x1;
	v29 =	vadd.s32 $0x2, v21;
	vm1 =	veq.s32 v18, $0x0;
	(xrf0) =	vadd.scan.msk.s32 $0xffff, v17  }
0x4e: {  	vm3 =	veq.s32 v18, $0x2;
	v20 =	vadd.s32 $0x1, v24;
	v22 =	vld.idx.msk [tilespmem:v22+s13+$0x0], $0xffff;
	v17 =	vsel vm1, $0x1, v0;
	(xrf0) =	vadd.scan.msk.s32 $0xffff, v19  }
0x4f: {  	v26 =	vadd.s32 $0x1, v21;
	vm1 =	veq.s32 v18, $0x3;
	v19 =	vsel vm2, $0x1, v0;
	(xrf0) =	vadd.scan.msk.s32 $0xffff, v17;
	v24 =	vld.idx.msk [tilespmem:v24+s4+$0x0], $0xffff  }
0x50: {  	v28 =	vsel vm3, $0x1, v0;
	v30 =	vsel vm1, $0x1, v0;
	vm1 =	veq.s32 v18, $0x4;
	v34 =	vld.idx.msk [tilespmem:v21+s4+$0x0], $0xffff;
	(xrf0) =	vadd.scan.msk.s32 $0xffff, v19  }
0x51: {  	v23 =	vshll.u32 v23, $0x4;
	vm2 =	veq.s32 v18, $0x6;
	v31 =	vsel vm1, $0x1, v0;
	v17, _, _ =	vpop (xrf0);
	v27 =	vld.idx.msk [tilespmem:v27+s4+$0x0], $0xffff;
	(xrf0) =	vadd.scan.msk.s32 $0xffff, v28  }
0x52: {  	vm1 =	veq.s32 v18, $0x5;
	v49 =	vsel vm2, $0x1, v0;
	vm2 =	veq.s32 v18, $0x9;
	v29 =	vld.idx.msk [tilespmem:v29+s4+$0x0], $0xffff;
	v19, _, _ =	vpop (xrf0);
	(xrf0) =	vadd.scan.msk.s32 $0xffff, v30  }
0x53: {  	v48 =	vsel vm1, $0x1, v0;
	v36 =	vsel vm2, $0x1, v0;
	vm2 =	veq.s32 v18, $0xC;
	v28 =	vld.idx.msk [tilespmem:v20+s4+$0x0], $0xffff;
	v20, _, _ =	vpop (xrf0)  }
0x54: {  	vm1 =	veq.s32 v18, $0x7;
	v26 =	vld.idx.msk [tilespmem:v26+s4+$0x0], $0xffff;
	v39 =	vsel vm2, $0x1, v0;
	vm2 =	veq.s32 v18, $0xD;
	v21, _, _ =	vpop (xrf0)  }
0x55: {  	v22 =	vadd.s32 v23, v22;
	v30 =	vsel vm1, $0x1, v0;
	vm1 =	veq.s32 v18, $0x8;
	(xrf0) =	vadd.scan.msk.s32 $0xffff, v31;
	v37, _, _ =	vpop (xrf0)  }
0x56: {  	v54 =	vsel vm2, $0x1, v0;
	v35 =	vsel vm1, $0x1, v0;
	vm1 =	veq.s32 v18, $0xA;
	(xrf0) =	vadd.scan.msk.s32 $0xffff, v48;
	v40, _, _ =	vpop (xrf0)  }
0x57: {  	v31 =	vsel vm1, $0x1, v0;
	vm1 =	veq.s32 v18, $0xB;
	v24 =	vsub.f32 v24, v34;
	v51, _, _ =	vpop (xrf0);
	(xrf0) =	vadd.scan.msk.s32 $0xffff, v49  }
0x58: {  	v38 =	vsel vm1, $0x1, v0;
	v27 =	vsub.f32 v27, v29;
	v37 =	vbroadcast v37, $0xF;
	(xrf0) =	vadd.scan.msk.s32 $0xffff, v30;
	v30, _, _ =	vpop (xrf0)  }
0x59: {  	v26 =	vsub.f32 v28, v26;
	v50 =	vbroadcast v40, $0xF;
	v30 =	vbroadcast v30, $0xF  }
0x5a: {  	v24 =	vmul.f32 v24, v24;
	v52 =	vand.u32 v1, v37;
	v53 =	vbroadcast v51, $0xF;
	(xrf0) =	vadd.scan.msk.s32 $0xffff, v35  }
0x5b: {  	v57 =	vmul.f32 v27, v27;
	v25 =	vadd.s32 v25, v52;
	v28 =	vand.u32 v2, v50;
	v56, _, _ =	vpop (xrf0)  }
0x5c: {  	v55 =	vand.u32 v3, v53;
	(xrf0) =	vadd.scan.msk.s32 $0xffff, v36;
	v25 =	vadd.s32 v28, v25;
	v29 =	vbroadcast v56, $0xF  }
0x5d: {  	v26 =	vmul.f32 v26, v26;
	(xrf0) =	vadd.scan.msk.s32 $0xffff, v31;
	v28 =	vand.u32 v4, v30;
	v25 =	vadd.s32 v55, v25;
	v30, _, _ =	vpop (xrf0)  }
0x5e: {  	v25 =	vadd.s32 v28, v25;
	v28 =	vand.u32 v5, v29;
	(xrf0) =	vadd.scan.msk.s32 $0xffff, v38;
	v27, _, _ =	vpop (xrf0);
	v29 =	vbroadcast v30, $0xF  }
0x5f: {  	vm1 =	veq.s32 v18, $0xE;
	v24 =	vadd.f32 v26, v24;
	(xrf0) =	vadd.scan.msk.s32 $0xffff, v39;
	v30, _, _ =	vpop (xrf0);
	v58 =	vbroadcast v27, $0xF  }
0x60: {  	v25 =	vadd.s32 v28, v25;
	v27 =	vsel vm1, $0x1, v0;
	v31, _, _ =	vpop (xrf0);
	(xrf0) =	vadd.scan.msk.s32 $0xffff, v54;
	v23 =	vand.u32 v6, v29  }
0x61: {  	(xrf0) =	vadd.scan.msk.s32 $0xffff, v27;
	v27 =	vbroadcast v30, $0xF;
	v23 =	vadd.s32 v23, v25;
	v59 =	vand.u32 v7, v58  }
0x62: {  	v24 =	vadd.f32 v57, v24;
	vm1 =	veq.s32 v18, $0xF;
	v28, _, _ =	vpop (xrf0);
	v23 =	vadd.s32 v59, v23  }
0x63: {  	p3 =	sne.s32 s24, $0x1;
	v29, _, _ =	vpop (xrf0);
	v62 =	vbroadcast v28, $0xF;
	v61 =	vand.u32 v8, v27;
	v27 =	vbroadcast v31, $0xF  }
.Ltmp2:
0x64: {  	v60 =	vsel vm1, $0x1, v0;
	v30, _, _ =	vpop (xrf0);
	v28 =	vbroadcast v29, $0xF;
	v23 =	vadd.s32 v61, v23;
	(pc) =	sbr.rel @!p3 .LBB2_6-.Ltmp2, $4  }
0x65: {  	s22 =	simm.s32 $0xC510;
	v31, _, _ =	vpop (xrf0);
	v29 =	vbroadcast v30, $0xF;
	v25 =	vand.u32 v10, v62;
	v27 =	vand.u32 v9, v27  }
0x66: {  	s23 =	simm.s32 $0xD910;
	[tilespmem:s22+$0x0] =	vst v24;
	v31 =	vbroadcast v31, $0xF;
	v63, _, _ =	vpop (xrf0);
	v23 =	vadd.s32 v27, v23;
	v27 =	vand.u32 v11, v28  }
0x67: {  	[tilespmem:s23+$0x0] =	vst v22;
	v29 =	vand.u32 v12, v29;
	v22, _, _ =	vpop (xrf0);
	v23 =	vadd.s32 v25, v23;
	v30 =	vbroadcast v63, $0xF  }
0x68: {  	s24 =	sadd.s32 $0xFFFFFFFF, s24;
	p1 =	por $0x1, $0x1;
	(xrf0) =	vadd.scan.msk.s32 $0xffff, v60;
	v32 =	vand.u32 v13, v31;
	v33 =	vadd.s32 v27, v23;
	v31 =	vbroadcast v22, $0xF  }
0x69: {  	_ = 	snop  }
0x6a: {  	s20 =	simm.s32 $0x9D20  }
0x6b: {  	v22 =	vadd.s32 v29, v33;
	s21 =	simm.s32 $0xB120;
	v29 =	vld [tilespmem:s20+$0x0]  }
0x6c: {  	v24 =	vand.u32 v14, v30;
	vm1 =	veq.s32 v18, $0x10;
	v25 =	vand.u32 v15, v31;
	v31 =	vld [tilespmem:s21+$0x0]  }
0x6d: {  	vm2 =	veq.s32 v18, $0x11;
	v28 =	vbroadcast v21, $0xF;
	v22 =	vadd.s32 v32, v22  }
0x6e: {  	v22 =	vadd.s32 v24, v22;
	v24 =	vsel vm1, $0x1, v0;
	vm1 =	veq.s32 v18, $0x12;
	v23, _, _ =	vpop (xrf0)  }
0x6f: {  	v22 =	vadd.s32 v25, v22;
	v25 =	vsel vm2, $0x1, v0;
	v23 =	vbroadcast v23, $0xF  }
0x70: {  	vm2 =	veq.s32 v18, $0x13;
	v18 =	vbroadcast v17, $0xF;
	v50 =	vmul.u32 $0x3, v29  }
0x71: {  	(xrf0) =	vadd.scan.msk.s32 $0xffff, v24;
	v24 =	vand.u32 v4, v28;
	v28 =	vmul.u32 $0x3, v31;
	v23 =	vand.u32 v16, v23  }
0x72: {  	v26 =	vsel vm1, $0x1, v0;
	v30 =	vadd.s32 v23, v22;
	v22 =	vbroadcast v19, $0xF  }
0x73: {  	v27 =	vsel vm2, $0x1, v0;
	v18 =	vand.u32 v1, v18;
	v51 =	vadd.s32 $0x1, v50  }
0x74: {  	v18 =	vadd.s32 v0, v18;
	v34 =	vadd.s32 $0x1, v28;
	v29 =	vld.idx.msk [tilespmem:v29+s13+$0x0], $0xffff;
	v22 =	vand.u32 v2, v22  }
0x75: {  	(xrf0) =	vadd.scan.msk.s32 $0xffff, v25;
	v35 =	vadd.s32 $0x2, v50;
	v22 =	vadd.s32 v22, v18;
	v18 =	vshrl.u32 v31, $0x9  }
0x76: {  	(xrf0) =	vadd.scan.msk.s32 $0xffff, v26;
	v36 =	vadd.s32 $0x2, v28;
	v32 =	vld.idx.msk [tilespmem:v50+s4+$0x0], $0xffff;
	v31 =	vshll.u32 v31, $0x4;
	vm1 =	veq.s32 v18, $0x0  }
0x77: {  	(xrf0) =	vadd.scan.msk.s32 $0xffff, v27;
	v41 =	vld.idx.msk [tilespmem:v28+s4+$0x0], $0xffff;
	vm2 =	veq.s32 v18, $0x1;
	vm3 =	veq.s32 v18, $0x2;
	v25 =	vsel vm1, $0x1, v0  }
0x78: {  	v33 =	vld.idx.msk [tilespmem:v51+s4+$0x0], $0xffff;
	v26 =	vsel vm2, $0x1, v0;
	v27 =	vsel vm3, $0x1, v0;
	vm1 =	veq.s32 v18, $0x3;
	(xrf0) =	vadd.scan.msk.s32 $0xffff, v25  }
0x79: {  	v34 =	vld.idx.msk [tilespmem:v34+s4+$0x0], $0xffff;
	vm2 =	veq.s32 v18, $0x6;
	v29 =	vadd.s32 v31, v29;
	v37 =	vsel vm1, $0x1, v0;
	(xrf0) =	vadd.scan.msk.s32 $0xffff, v26  }
0x7a: {  	vm1 =	veq.s32 v18, $0x4;
	v40 =	vsel vm2, $0x1, v0;
	vm2 =	veq.s32 v18, $0x9;
	v25, _, _ =	vpop (xrf0);
	(xrf0) =	vadd.scan.msk.s32 $0xffff, v27  }
0x7b: {  	v35 =	vld.idx.msk [tilespmem:v35+s4+$0x0], $0xffff;
	v38 =	vsel vm1, $0x1, v0;
	vm1 =	veq.s32 v18, $0x5;
	v43 =	vsel vm2, $0x1, v0;
	v26, _, _ =	vpop (xrf0)  }
0x7c: {  	v36 =	vld.idx.msk [tilespmem:v36+s4+$0x0], $0xffff;
	vm2 =	veq.s32 v18, $0xC;
	v39 =	vsel vm1, $0x1, v0;
	vm1 =	veq.s32 v18, $0x7;
	(xrf0) =	vadd.scan.msk.s32 $0xffff, v37;
	v27, _, _ =	vpop (xrf0)  }
0x7d: {  	v46 =	vsel vm2, $0x1, v0;
	vm2 =	veq.s32 v18, $0xD;
	v32 =	vsub.f32 v32, v41;
	v28, _, _ =	vpop (xrf0)  }
0x7e: {  	v52 =	vsel vm1, $0x1, v0;
	vm1 =	veq.s32 v18, $0x8;
	v33 =	vsub.f32 v33, v34;
	(xrf0) =	vadd.scan.msk.s32 $0xffff, v38;
	v44, _, _ =	vpop (xrf0)  }
0x7f: {  	v42 =	vsel vm1, $0x1, v0;
	vm1 =	veq.s32 v18, $0xA;
	v32 =	vmul.f32 v32, v32;
	(xrf0) =	vadd.scan.msk.s32 $0xffff, v39;
	v47, _, _ =	vpop (xrf0)  }
0x80: {  	v53 =	vsel vm1, $0x1, v0;
	vm1 =	veq.s32 v18, $0xB;
	v33 =	vmul.f32 v33, v33;
	v55, _, _ =	vpop (xrf0);
	(xrf0) =	vadd.scan.msk.s32 $0xffff, v40  }
0x81: {  	v58 =	vsel vm2, $0x1, v0;
	v35 =	vsub.f32 v35, v36;
	v45 =	vsel vm1, $0x1, v0;
	(xrf0) =	vadd.scan.msk.s32 $0xffff, v52  }
0x82: {  	vm1 =	veq.s32 v18, $0xE;
	v44 =	vbroadcast v44, $0xF;
	v32 =	vadd.f32 v33, v32;
	v59, _, _ =	vpop (xrf0);
	(xrf0) =	vadd.scan.msk.s32 $0xffff, v42  }
0x83: {  	v50 =	vsel vm1, $0x1, v0;
	vm1 =	veq.s32 v18, $0xF;
	v54 =	vbroadcast v47, $0xF;
	(xrf0) =	vadd.scan.msk.s32 $0xffff, v43  }
0x84: {  	v56 =	vand.u32 v1, v44;
	v57 =	vbroadcast v55, $0xF;
	v55 =	vsel vm1, $0x1, v0;
	v62, _, _ =	vpop (xrf0);
	(xrf0) =	vadd.scan.msk.s32 $0xffff, v53  }
0x85: {  	v30 =	vadd.s32 v30, v56;
	v60 =	vand.u32 v2, v54;
	v37 =	vbroadcast v59, $0xF;
	v42, _, _ =	vpop (xrf0);
	(xrf0) =	vadd.scan.msk.s32 $0xffff, v45  }
0x86: {  	v61 =	vand.u32 v3, v57;
	v30 =	vadd.s32 v60, v30;
	v41 =	vbroadcast v62, $0xF;
	v44, _, _ =	vpop (xrf0);
	(xrf0) =	vadd.scan.msk.s32 $0xffff, v46  }
0x87: {  	v63 =	vand.u32 v4, v37;
	v30 =	vadd.s32 v61, v30;
	v46 =	vbroadcast v42, $0xF;
	v48, _, _ =	vpop (xrf0)  }
0x88: {  	v30 =	vadd.s32 v63, v30;
	v45 =	vand.u32 v5, v41;
	v49 =	vbroadcast v44, $0xF;
	v51, _, _ =	vpop (xrf0)  }
0x89: {  	v30 =	vadd.s32 v45, v30;
	(xrf0) =	vadd.scan.msk.s32 $0xffff, v58;
	v31 =	vand.u32 v6, v46;
	v53 =	vbroadcast v48, $0xF;
	v52, _, _ =	vpop (xrf0)  }
0x8a: {  	v43 =	vmul.f32 v35, v35;
	(xrf0) =	vadd.scan.msk.s32 $0xffff, v50;
	v30 =	vadd.s32 v31, v30;
	v31 =	vand.u32 v7, v49;
	v54, _, _ =	vpop (xrf0)  }
0x8b: {  	v57 =	vbroadcast v51, $0xF;
	v30 =	vadd.s32 v31, v30;
	v31 =	vand.u32 v8, v53;
	v56, _, _ =	vpop (xrf0)  }
0x8c: {  	p3 =	sne.s32 s24, $0x1;
	v23 =	vbroadcast v20, $0xF;
	v32 =	vadd.f32 v43, v32;
	v30 =	vadd.s32 v31, v30;
	v58, _, _ =	vpop (xrf0);
	(xrf0) =	vadd.scan.msk.s32 $0xffff, v55  }
.Ltmp3:
0x8d: {  	v31 =	vbroadcast v52, $0xF;
	v59 =	vbroadcast v54, $0xF;
	v35 =	vand.u32 v9, v57;
	(pc) =	sbr.rel @!p3 .LBB2_9-.Ltmp3, $4  }
0x8e: {  	s22 =	simm.s32 $0xC520;
	v23 =	vand.u32 v3, v23;
	v60 =	vbroadcast v56, $0xF;
	v30 =	vadd.s32 v35, v30  }
0x8f: {  	s23 =	simm.s32 $0xD920;
	[tilespmem:s22+$0x0] =	vst v32;
	v61 =	vbroadcast v58, $0xF;
	v31 =	vand.u32 v10, v31;
	v34 =	vand.u32 v11, v59;
	v62, _, _ =	vpop (xrf0)  }
0x90: {  	[tilespmem:s23+$0x0] =	vst v29;
	v31 =	vadd.s32 v31, v30;
	v29 =	vand.u32 v12, v60;
	v63, _, _ =	vpop (xrf0);
	v30 =	vbroadcast v62, $0xF  }
0x91: {  	s24 =	sadd.s32 $0xFFFFFFFF, s24;
	p2 =	por $0x1, $0x1;
	v33 =	vadd.s32 v34, v31;
	v32 =	vand.u32 v13, v61;
	v31 =	vbroadcast v63, $0xF  }
.LBB2_8:
0x92: {  	p3 =	sne.s32 s24, $0x1;
	v29 =	vadd.s32 v29, v33;
	v30 =	vand.u32 v14, v30;
	vm1 =	veq.s32 v18, $0x10;
	v33, _, _ =	vpop (xrf0)  }
0x93: {  	v29 =	vadd.s32 v32, v29;
	v31 =	vand.u32 v15, v31;
	v32 =	vbroadcast v33, $0xF  }
0x94: {  	s20 =	sadd.s32 $0x10, s20;
	v29 =	vadd.s32 v30, v29;
	v30 =	vsel vm1, $0x1, v0;
	vm1 =	veq.s32 v18, $0x11  }
0x95: {  	v33 =	vld [tilespmem:s20+$0x0];
	v29 =	vadd.s32 v31, v29;
	v31 =	vand.u32 v16, v32;
	v32 =	vsel vm1, $0x1, v0;
	(xrf0) =	vadd.scan.msk.s32 $0xffff, v30  }
0x96: {  	vm2 =	veq.s32 v18, $0x13;
	s21 =	sadd.s32 $0x10, s21;
	vm1 =	veq.s32 v18, $0x12;
	v30 =	vadd.s32 v31, v29;
	(xrf0) =	vadd.scan.msk.s32 $0xffff, v32  }
0x97: {  	v25 =	vbroadcast v25, $0xF;
	v18 =	vsel vm1, $0x1, v0;
	v31 =	vsel vm2, $0x1, v0;
	v29 =	vld [tilespmem:s21+$0x0]  }
0x98: {  	v22 =	vadd.s32 v23, v22;
	(xrf0) =	vadd.scan.msk.s32 $0xffff, v18;
	v18 =	vbroadcast v26, $0xF;
	v26 =	vbroadcast v27, $0xF  }
0x99: {  	v22 =	vadd.s32 v24, v22;
	v23 =	vand.u32 v1, v25;
	v27 =	vbroadcast v28, $0xF;
	(xrf0) =	vadd.scan.msk.s32 $0xffff, v31  }
0x9a: {  	v22 =	vadd.s32 v22, v23;
	v31 =	vmul.u32 $0x3, v33;
	v18 =	vand.u32 v2, v18  }
0x9b: {  	v23 =	vand.u32 v3, v26;
	v24 =	vand.u32 v4, v27;
	v25, _, _ =	vpop (xrf0);
	v22 =	vadd.s32 v18, v22  }
0x9c: {  	v32 =	vmul.u32 $0x3, v29;
	v34 =	vadd.s32 $0x1, v31;
	v18 =	vshrl.u32 v29, $0x9;
	v26, _, _ =	vpop (xrf0)  }
0x9d: {  	vm1 =	veq.s32 v18, $0x0;
	vm2 =	veq.s32 v18, $0x1;
	vm3 =	veq.s32 v18, $0x2  }
0x9e: {  	v35 =	vadd.s32 $0x1, v32;
	v39 =	vsel vm1, $0x1, v0;
	v36 =	vsel vm2, $0x1, v0;
	v27, _, _ =	vpop (xrf0)  }
0x9f: {  	v37 =	vadd.s32 $0x2, v31;
	v38 =	vsel vm3, $0x1, v0;
	vm1 =	veq.s32 v18, $0x3;
	(xrf0) =	vadd.scan.msk.s32 $0xffff, v39;
	v28, _, _ =	vpop (xrf0)  }
0xa0: {  	v39 =	vadd.s32 $0x2, v32;
	v40 =	vsel vm1, $0x1, v0;
	vm1 =	veq.s32 v18, $0x4;
	v31 =	vld.idx.msk [tilespmem:v31+s4+$0x0], $0xffff;
	(xrf0) =	vadd.scan.msk.s32 $0xffff, v36  }
0xa1: {  	vm2 =	veq.s32 v18, $0x6;
	v36 =	vsel vm1, $0x1, v0;
	vm1 =	veq.s32 v18, $0x5;
	v34 =	vld.idx.msk [tilespmem:v34+s4+$0x0], $0xffff;
	(xrf0) =	vadd.scan.msk.s32 $0xffff, v38  }
0xa2: {  	v41 =	vsel vm2, $0x1, v0;
	v38 =	vsel vm1, $0x1, v0;
	vm1 =	veq.s32 v18, $0x7;
	v32 =	vld.idx.msk [tilespmem:v32+s4+$0x0], $0xffff;
	(xrf0) =	vadd.scan.msk.s32 $0xffff, v40  }
0xa3: {  	vm2 =	veq.s32 v18, $0x9;
	v40 =	vsel vm1, $0x1, v0;
	vm1 =	veq.s32 v18, $0x8;
	v35 =	vld.idx.msk [tilespmem:v35+s4+$0x0], $0xffff;
	(xrf0) =	vadd.scan.msk.s32 $0xffff, v36  }
0xa4: {  	v42 =	vsel vm2, $0x1, v0;
	v36 =	vld.idx.msk [tilespmem:v37+s4+$0x0], $0xffff;
	v37 =	vsel vm1, $0x1, v0;
	vm1 =	veq.s32 v18, $0xA;
	(xrf0) =	vadd.scan.msk.s32 $0xffff, v38  }
0xa5: {  	vm2 =	veq.s32 v18, $0xC;
	v38 =	vld.idx.msk [tilespmem:v39+s4+$0x0], $0xffff;
	v39 =	vsel vm1, $0x1, v0;
	vm1 =	veq.s32 v18, $0xB;
	v43, _, _ =	vpop (xrf0);
	(xrf0) =	vadd.scan.msk.s32 $0xffff, v41  }
0xa6: {  	v44 =	vsel vm2, $0x1, v0;
	v41 =	vbroadcast v43, $0xF;
	v43 =	vsel vm1, $0x1, v0;
	v45, _, _ =	vpop (xrf0);
	(xrf0) =	vadd.scan.msk.s32 $0xffff, v40  }
0xa7: {  	vm2 =	veq.s32 v18, $0xD;
	vm1 =	veq.s32 v18, $0xE;
	v47 =	vbroadcast v45, $0xF;
	v45, _, _ =	vpop (xrf0);
	(xrf0) =	vadd.scan.msk.s32 $0xffff, v37  }
0xa8: {  	v37 =	vand.u32 v1, v41;
	v41 =	vbroadcast v45, $0xF;
	v45 =	vsel vm2, $0x1, v0;
	v46, _, _ =	vpop (xrf0);
	(xrf0) =	vadd.scan.msk.s32 $0xffff, v42  }
0xa9: {  	v31 =	vsub.f32 v31, v32;
	v32 =	vsub.f32 v34, v35;
	v30 =	vadd.s32 v30, v37;
	v34, _, _ =	vpop (xrf0);
	(xrf0) =	vadd.scan.msk.s32 $0xffff, v39  }
0xaa: {  	v35 =	vand.u32 v2, v47;
	v37 =	vand.u32 v3, v41;
	v41 =	vbroadcast v46, $0xF;
	v40, _, _ =	vpop (xrf0);
	(xrf0) =	vadd.scan.msk.s32 $0xffff, v43  }
0xab: {  	v31 =	vmul.f32 v31, v31;
	v42 =	vsub.f32 v36, v38;
	v32 =	vmul.f32 v32, v32;
	v33 =	vld.idx.msk [tilespmem:v33+s13+$0x0], $0xffff;
	v38, _, _ =	vpop (xrf0)  }
0xac: {  	v30 =	vadd.s32 v35, v30;
	v34 =	vbroadcast v34, $0xF;
	v35 =	vand.u32 v4, v41;
	v39, _, _ =	vpop (xrf0);
	(xrf0) =	vadd.scan.msk.s32 $0xffff, v44  }
0xad: {  	v30 =	vadd.s32 v37, v30;
	v31 =	vadd.f32 v32, v31;
	v32 =	vmul.f32 v42, v42;
	v36, _, _ =	vpop (xrf0);
	(xrf0) =	vadd.scan.msk.s32 $0xffff, v45  }
0xae: {  	v41 =	vand.u32 v5, v34;
	v30 =	vadd.s32 v35, v30;
	v35 =	vbroadcast v40, $0xF;
	v37, _, _ =	vpop (xrf0)  }
0xaf: {  	v42 =	vbroadcast v38, $0xF;
	v38 =	vsel vm1, $0x1, v0;
	v31 =	vadd.f32 v32, v31;
	v40, _, _ =	vpop (xrf0)  }
0xb0: {  	s22 =	sadd.s32 $0x10, s22;
	v29 =	vshll.u32 v29, $0x4;
	vm1 =	veq.s32 v18, $0xF;
	v30 =	vadd.s32 v41, v30;
	v34, _, _ =	vpop (xrf0);
	(xrf0) =	vadd.scan.msk.s32 $0xffff, v38  }
0xb1: {  	s23 =	sadd.s32 $0x10, s23;
	v29 =	vadd.s32 v29, v33;
	v33 =	vbroadcast v39, $0xF;
	[tilespmem:s22+$0x0] =	vst v31;
	v31 =	vand.u32 v6, v35  }
0xb2: {  	[tilespmem:s23+$0x0] =	vst v29;
	v29 =	vadd.s32 v31, v30;
	v30 =	vand.u32 v7, v42;
	v31 =	vsel vm1, $0x1, v0;
	v32, _, _ =	vpop (xrf0)  }
0xb3: {  	v29 =	vadd.s32 v30, v29;
	v30 =	vand.u32 v8, v33;
	v33 =	vbroadcast v36, $0xF;
	v35, _, _ =	vpop (xrf0);
	(xrf0) =	vadd.scan.msk.s32 $0xffff, v31  }
.Ltmp4:
0xb4: {  	v31 =	vbroadcast v40, $0xF;
	v29 =	vadd.s32 v30, v29;
	v30 =	vbroadcast v37, $0xF;
	(pc) =	sbr.rel @p3 .LBB2_8-.Ltmp4, $4  }
0xb5: {  	v34 =	vbroadcast v34, $0xF;
	v32 =	vbroadcast v32, $0xF;
	v33 =	vand.u32 v9, v33  }
0xb6: {  	v31 =	vand.u32 v11, v31;
	v29 =	vadd.s32 v33, v29;
	v30 =	vand.u32 v10, v30;
	v36, _, _ =	vpop (xrf0)  }
0xb7: {  	v33 =	vadd.s32 v30, v29;
	v29 =	vand.u32 v12, v34;
	v30 =	vbroadcast v35, $0xF  }
0xb8: {  	s24 =	sadd.s32 $0xFFFFFFFF, s24;
	v32 =	vand.u32 v13, v32;
	v33 =	vadd.s32 v31, v33;
	v31 =	vbroadcast v36, $0xF  }
.LBB2_9:
0xb9: {  	v29 =	vadd.s32 @p0 v29, v33;
	v30 =	vand.u32 @p0 v14, v30  }
0xba: {  	vm1 =	veq.s32 @p0 v18, $0x10;
	vm2 =	veq.s32 @p0 v18, $0x13;
	v25 =	vbroadcast @p1 v25, $0xF  }
0xbb: {  	v33, _, _ =	vpop @p0 (xrf0);
	v22 =	vadd.s32 @p2 v23, v22;
	v23 =	vbroadcast @p1 v26, $0xF;
	v26 =	vbroadcast @p1 v28, $0xF  }
0xbc: {  	v29 =	vadd.s32 @p0 v32, v29;
	v32 =	vbroadcast @p0 v33, $0xF;
	v31 =	vand.u32 @p0 v15, v31  }
0xbd: {  	s20 =	sadd.s32 @p0 $0x10, s20;
	v22 =	vadd.s32 @p2 v24, v22;
	v24 =	vbroadcast @p1 v27, $0xF;
	v27 =	vsel @p0 vm2, $0x1, v0  }
0xbe: {  	s19 =	smov.u32 @p0 s20;
	s20 =	sadd.s32 @p0 $0x10, s21;
	v29 =	vadd.s32 @p0 v30, v29;
	v30 =	vsel @p0 vm1, $0x1, v0;
	vm1 =	veq.s32 @p0 v18, $0x11  }
0xbf: {  	s18 =	smov.u32 @p0 s20;
	v25 =	vand.u32 @p1 v1, v25;
	v22 =	vpsel p2, v22, v0;
	v31 =	vadd.s32 @p0 v31, v29;
	v29 =	vld [tilespmem:s19+$0x0]  }
0xc0: {  	v23 =	vand.u32 @p1 v2, v23;
	v33 =	vsel @p0 vm1, $0x1, v0;
	vm1 =	veq.s32 @p0 v18, $0x12;
	v18 =	vld [tilespmem:s18+$0x0]  }
0xc1: {  	v32 =	vand.u32 @p0 v16, v32;
	v22 =	vadd.s32 @p1 v22, v25;
	v25 =	vand.u32 @p1 v3, v24  }
0xc2: {  	v24 =	vand.u32 @p1 v4, v26;
	v31 =	vadd.s32 @p0 v32, v31;
	v23 =	vadd.s32 @p1 v23, v22  }
0xc3: {  	(xrf0) =	vadd.scan.msk.s32 @p0 $0xffff, v30;
	v32 =	vsel @p0 vm1, $0x1, v0;
	v25 =	vpsel p1, v25, v0;
	v23 =	vpsel p1, v23, v0  }
0xc4: {  	v24 =	vpsel p1, v24, v0;
	v31 =	vpsel p0, v31, v0;
	v23 =	vadd.s32 @p1 v25, v23  }
0xc5: {  	(xrf0) =	vadd.scan.msk.s32 @p0 $0xffff, v33;
	v50 =	vmul.u32 $0x3, v29;
	v22 =	vshrl.u32 v18, $0x9;
	v51 =	vmul.u32 $0x3, v18  }
0xc6: {  	vm1 =	veq.s32 v22, $0x0;
	vm2 =	veq.s32 v22, $0x1;
	vm3 =	veq.s32 v22, $0x2  }
0xc7: {  	v52 =	vadd.s32 $0x1, v50;
	v53 =	vsel vm1, $0x1, v0;
	v54 =	vadd.s32 $0x1, v51  }
0xc8: {  	(xrf0) =	vadd.scan.msk.s32 @p0 $0xffff, v32;
	v55 =	vsel vm2, $0x1, v0;
	v34 =	vadd.s32 $0x2, v50;
	v56 =	vsel vm3, $0x1, v0  }
0xc9: {  	v33, _, _ =	vpop @p0 (xrf0);
	vm1 =	veq.s32 v22, $0x3;
	vm2 =	veq.s32 v22, $0x4;
	v35 =	vadd.s32 $0x2, v51  }
0xca: {  	(xrf0) =	vadd.scan.msk.s32 @p0 $0xffff, v27;
	vm3 =	veq.s32 v22, $0x7;
	v17 =	vpsel p0, v33, v17;
	v36 =	vsel vm1, $0x1, v0  }
0xcb: {  	v38, _, _ =	vpop @p0 (xrf0);
	v37 =	vsel vm2, $0x1, v0;
	vm1 =	veq.s32 v22, $0x5;
	vm2 =	veq.s32 v22, $0x6  }
0xcc: {  	v41 =	vsel vm3, $0x1, v0;
	vm3 =	veq.s32 v22, $0xA;
	v19 =	vpsel p0, v38, v19  }
0xcd: {  	v17 =	vbroadcast @p0 v17, $0xF;
	v39 =	vsel vm1, $0x1, v0;
	v40 =	vsel vm2, $0x1, v0  }
0xce: {  	(xrf0) =	vadd.scan.msk.s32 $0xffff, v53;
	v27, _, _ =	vpop @p0 (xrf0);
	vm1 =	veq.s32 v22, $0x8;
	vm2 =	veq.s32 v22, $0x9;
	v44 =	vsel vm3, $0x1, v0;
	v28 =	vld.idx.msk [tilespmem:v50+s4+$0x0], $0xffff  }
0xcf: {  	(xrf0) =	vadd.scan.msk.s32 $0xffff, v55;
	v20 =	vpsel p0, v27, v20;
	v19 =	vbroadcast @p0 v19, $0xF;
	v57 =	vsel vm1, $0x1, v0;
	v26 =	vld.idx.msk [tilespmem:v51+s4+$0x0], $0xffff  }
0xd0: {  	v42, _, _ =	vpop @p0 (xrf0);
	v43 =	vsel vm2, $0x1, v0;
	vm1 =	veq.s32 v22, $0xB;
	vm2 =	veq.s32 v22, $0xC;
	v30 =	vld.idx.msk [tilespmem:v52+s4+$0x0], $0xffff  }
0xd1: {  	(xrf0) =	vadd.scan.msk.s32 $0xffff, v56;
	v21 =	vpsel p0, v42, v21;
	v20 =	vbroadcast @p0 v20, $0xF;
	v17 =	vand.u32 @p0 v1, v17;
	v32 =	vld.idx.msk [tilespmem:v54+s4+$0x0], $0xffff  }
0xd2: {  	(xrf0) =	vadd.scan.msk.s32 $0xffff, v36;
	v46 =	vsel vm1, $0x1, v0;
	v47 =	vsel vm2, $0x1, v0;
	vm2 =	veq.s32 v22, $0xD;
	v34 =	vld.idx.msk [tilespmem:v34+s4+$0x0], $0xffff  }
0xd3: {  	vm1 =	veq.s32 v22, $0xE;
	v21 =	vbroadcast @p0 v21, $0xF;
	v19 =	vand.u32 @p0 v2, v19;
	v35 =	vld.idx.msk [tilespmem:v35+s4+$0x0], $0xffff  }
0xd4: {  	(xrf0) =	vadd.scan.msk.s32 $0xffff, v37;
	v61 =	vsel vm2, $0x1, v0;
	v55 =	vsel vm1, $0x1, v0;
	vm1 =	veq.s32 v22, $0xF;
	v45, _, _ =	vpop (xrf0)  }
0xd5: {  	vm2 =	veq.s32 v22, $0x13;
	v21 =	vand.u32 @p0 v4, v21;
	v58 =	vbroadcast v45, $0xF;
	v59, _, _ =	vpop (xrf0)  }
0xd6: {  	(xrf0) =	vadd.scan.msk.s32 $0xffff, v39;
	v21 =	vpsel p0, v21, v0;
	v45 =	vbroadcast v59, $0xF;
	v26 =	vsub.f32 v28, v26  }
0xd7: {  	v60, _, _ =	vpop (xrf0);
	(xrf0) =	vadd.scan.msk.s32 $0xffff, v40;
	v40 =	vsel vm1, $0x1, v0;
	vm1 =	veq.s32 v22, $0x10;
	v37 =	vand.u32 v1, v58  }
0xd8: {  	v39 =	vbroadcast v60, $0xF;
	(xrf0) =	vadd.scan.msk.s32 $0xffff, v41;
	v62, _, _ =	vpop (xrf0);
	v30 =	vsub.f32 v30, v32;
	v34 =	vsub.f32 v34, v35  }
0xd9: {  	v31 =	vadd.s32 v31, v37;
	(xrf0) =	vadd.scan.msk.s32 $0xffff, v57;
	v63 =	vand.u32 v2, v45;
	v28 =	vbroadcast v62, $0xF  }
0xda: {  	v26 =	vmul.f32 v26, v26;
	v41 =	vand.u32 v3, v39;
	(xrf0) =	vadd.scan.msk.s32 $0xffff, v43;
	v43, _, _ =	vpop (xrf0);
	v30 =	vmul.f32 v30, v30  }
0xdb: {  	v31 =	vadd.s32 v63, v31;
	v49 =	vmul.f32 v34, v34;
	v45 =	vbroadcast v43, $0xF  }
0xdc: {  	(xrf0) =	vadd.scan.msk.s32 $0xffff, v44;
	v28 =	vand.u32 v4, v28;
	v48, _, _ =	vpop (xrf0);
	v31 =	vadd.s32 v41, v31;
	v26 =	vadd.f32 v30, v26  }
0xdd: {  	(xrf0) =	vadd.scan.msk.s32 $0xffff, v46;
	v28 =	vadd.s32 v28, v31;
	v52 =	vbroadcast v48, $0xF;
	v50, _, _ =	vpop (xrf0);
	v51 =	vand.u32 v5, v45  }
0xde: {  	(xrf0) =	vadd.scan.msk.s32 $0xffff, v47;
	v53, _, _ =	vpop (xrf0);
	v26 =	vadd.f32 v49, v26;
	v54 =	vbroadcast v50, $0xF;
	v28 =	vadd.s32 v51, v28  }
0xdf: {  	v57 =	vand.u32 v6, v52;
	v51 =	vsel vm1, $0x1, v0;
	vm1 =	veq.s32 v22, $0x11;
	v56, _, _ =	vpop (xrf0);
	(xrf0) =	vadd.scan.msk.s32 $0xffff, v61  }
0xe0: {  	v58 =	vbroadcast v53, $0xF;
	v28 =	vadd.s32 v57, v28;
	v52 =	vsel vm1, $0x1, v0  }
0xe1: {  	vm1 =	veq.s32 v22, $0x12;
	v22 =	vadd.s32 @p1 v24, v23;
	v59, _, _ =	vpop (xrf0);
	v30 =	vand.u32 v7, v54  }
0xe2: {  	(xrf0) =	vadd.scan.msk.s32 $0xffff, v55;
	v62 =	vbroadcast v56, $0xF;
	v53 =	vsel vm1, $0x1, v0;
	v54 =	vsel vm2, $0x1, v0;
	v60, _, _ =	vpop (xrf0)  }
0xe3: {  	v22 =	vpsel p1, v22, v0;
	v28 =	vadd.s32 v30, v28;
	v61 =	vand.u32 v8, v58;
	v63, _, _ =	vpop (xrf0)  }
0xe4: {  	v41 =	vbroadcast v59, $0xF;
	v17 =	vadd.s32 @p0 v22, v17;
	v28 =	vadd.s32 v61, v28;
	v43, _, _ =	vpop (xrf0);
	(xrf0) =	vadd.scan.msk.s32 $0xffff, v40  }
0xe5: {  	v31 =	vbroadcast v60, $0xF;
	v32 =	vand.u32 v9, v62;
	v17 =	vadd.s32 @p0 v19, v17;
	v44, _, _ =	vpop (xrf0);
	(xrf0) =	vadd.scan.msk.s32 $0xffff, v51  }
0xe6: {  	v19 =	vand.u32 @p0 v3, v20;
	v34 =	vbroadcast v63, $0xF;
	v28 =	vadd.s32 v32, v28;
	(xrf0) =	vadd.scan.msk.s32 $0xffff, v52  }
0xe7: {  	v30 =	vand.u32 v10, v41;
	v17 =	vpsel p0, v17, v0;
	v19 =	vpsel p0, v19, v0;
	(xrf0) =	vadd.scan.msk.s32 $0xffff, v53  }
0xe8: {  	v35 =	vbroadcast v43, $0xF;
	v31 =	vand.u32 v11, v31;
	v28 =	vadd.s32 v30, v28;
	v46, _, _ =	vpop (xrf0);
	(xrf0) =	vadd.scan.msk.s32 $0xffff, v54  }
0xe9: {  	v17 =	vadd.s32 @p0 v19, v17;
	v45 =	vand.u32 v12, v34;
	v28 =	vadd.s32 v31, v28  }
0xea: {  	v17 =	vadd.s32 @p0 v21, v17;
	v32 =	vbroadcast v44, $0xF;
	v47 =	vand.u32 v13, v35;
	v55, _, _ =	vpop (xrf0)  }
0xeb: {  	v48 =	vadd.s32 v45, v28;
	v17 =	vpsel p0, v17, v0;
	v34 =	vbroadcast v46, $0xF;
	v57, _, _ =	vpop (xrf0)  }
0xec: {  	v27 =	vadd.s32 v47, v48;
	v49 =	vand.u32 v14, v32;
	v58, _, _ =	vpop (xrf0);
	v20 =	vbroadcast v57, $0xF  }
0xed: {  	v50 =	vand.u32 v15, v34;
	v19 =	vadd.s32 v49, v27;
	v59, _, _ =	vpop (xrf0);
	v23 =	vbroadcast v58, $0xF  }
0xee: {  	v60 =	vld.idx.msk [tilespmem:v29+s13+$0x0], $0xffff;
	v56 =	vbroadcast v55, $0xF;
	v25, _, _ =	vpop (xrf0);
	v24 =	vbroadcast v59, $0xF;
	v20 =	vand.u32 v1, v20  }
0xef: {  	v25 =	vbroadcast v25, $0xF;
	v17 =	vadd.s32 v17, v20;
	v61 =	vand.u32 v2, v23  }
0xf0: {  	v19 =	vadd.s32 v50, v19;
	v17 =	vadd.s32 v61, v17;
	v62 =	vand.u32 v3, v24  }
0xf1: {  	s18 =	sadd.s32 @p0 $0x10, s22;
	s19 =	simm.s32 $0xC500;
	v22 =	vand.u32 v16, v56;
	v63 =	vand.u32 v4, v25;
	v17 =	vadd.s32 v62, v17  }
0xf2: {  	s20 =	simm.s32 $0xD900;
	s19 =	smov.u32 @p0 s18;
	s18 =	sadd.s32 @p0 $0x10, s23;
	v18 =	vshll.u32 v18, $0x4;
	v19 =	vadd.s32 v22, v19;
	v17 =	vadd.s32 v63, v17  }
0xf3: {  	s20 =	smov.u32 @p0 s18;
	[tilespmem:s19+$0x0] =	vst v26;
	v18 =	vadd.s32 v18, v60;
	v19 =	vadd.s32 $0x7, v19;
	v17 =	vadd.s32 $0x7, v17  }
0xf4: {  	[tilespmem:s20+$0x0] =	vst v18;
	v18 =	vand.u32 $0xFFFFFFF8, v19;
	v17 =	vand.u32 $0xFFFFFFF8, v17  }
0xf5: {  	[tilespmem:$0xED00] =	vst v18;
	v17 =	vnsel vm0, $0x0, v17  }
0xf6: {  	[tilespmem:$0xED10] =	vst v17  }
0xf7: {  	[hbm4b:s8+s4] =	stream.linear.scatter [tilespmem:s14], [sflag:$0x1], $0x80, $0x38;
	[tilespmem:$0xED80] =	vst v63  }
0xf8: {  	_ =	swait.ge [sflag:s12], $0x80  }
0xf9: {  	[sflag:s12] =	ssyncset.done $0x0  }
0xfa: {  	[sflag:s12] =	ssyncadd.s32 $0xFFFFFF80  }
0xfb: {  	[hbm4b:s9+s4] =	stream.linear.scatter [tilespmem:s15], [sflag:$0x1], $0x1390, $0x38;
	[tilespmem:$0xED80] =	vst v63  }
0xfc: {  	_ =	swait.ge [sflag:s12], $0x1390  }
0xfd: {  	s17 =	sadd.s32 $0x1, s17;
	[sflag:s12] =	ssyncset.done $0x0  }
0xfe: {  	p0 =	sne.s32 s17, s11;
	[sflag:s12] =	ssyncadd.s32 $0xFFFFEC70  }
0xff: {  	[hbm4b:s10+s4] =	stream.linear.scatter [tilespmem:s16], [sflag:$0x1], $0x1390, $0x38;
	[tilespmem:$0xED80] =	vst v63  }
.Ltmp5:
0x100: {  	_ = 	snop;
	(pc) =	sbr.rel @p0 .LBB2_1-.Ltmp5, $4  }
.Ltmp6:
0x101: {  	_ = 	snop;
	(pc) =	sbr.rel @!p0 .LBB2_10-.Ltmp6, $4  }
0x102: {  	_ =	swait.ge [sflag:s12], $0x1390  }
0x103: {  	[sflag:s12] =	ssyncset.done $0x0  }
0x104: {  	[sflag:s12] =	ssyncadd.s32 $0xFFFFEC70  }
0x105: {  	_ = 	snop  }
.LBB2_2:
.Ltmp7:
0x106: {  	(pc) =	sbr.rel .LBB2_9-.Ltmp7, $3  }
0x107: {  	_ =	sdelay $0x1  }
0x108: {  	s20 =	simm.s32 $0x9D00  }
0x109: {  	s21 =	simm.s32 $0xB100;
	s22 =	simm.s32 $0xC500;
	s23 =	simm.s32 $0xD900  }
.LBB2_4:
.Ltmp8:
0x10a: {  	(pc) =	sbr.rel .LBB2_9-.Ltmp8, $3  }
0x10b: {  	_ =	sdelay $0x1  }
0x10c: {  	s20 =	simm.s32 $0x9D00  }
0x10d: {  	s21 =	simm.s32 $0xB100;
	s22 =	simm.s32 $0xC500;
	s23 =	simm.s32 $0xD900  }
.LBB2_6:
.Ltmp9:
0x10e: {  	(pc) =	sbr.rel .LBB2_9-.Ltmp9, $2  }
0x10f: {  	_ =	sdelay $0x2  }
0x110: {  	v25 =	vmovc v17;
	v26 =	vmov v19;
	v27 =	vmov v20;
	v28 =	vmov v21  }
.LBB2_10:
0x111: {  	_ =	sfence.sel $0x180000  }
0x112: {  	[bflag:$0x0] =	sbarrier.arrive $0xFFFF  }
0x113: {  	p0 =	sne.s32 s3, $0x0;
	_ =	strace $0x90000047  }
0x114: {  	s0 =	sadd.s32 @!p0 $0x100000, s2;
	[bflag:$0x2] =	sbarrier.arrive $0xFFFF  }
0x115: {  	[sflag:s0] =	ssyncadd.tile.s32 @!p0 $0x1;
	_ =	shalt  }
.Lfunc_end2:
_tile_overlayer_lowered:
.L_overlay_start_2:
0x116: {  	(tag) =	ssettag $0x2  }
0x117: {  	s0 =	rddreg [dreg:$0x0];
	s2 =	stileid.u32  }
0x118: {  	s1 =	rddreg [dreg:$0x1];
	p0 =	sne.s32 s2, $0x0  }
0x119: {  	s3 =	rddreg [dreg:$0x2];
	[bflag:$0x3] =	sbarrier.arrive $0xFFFF;
	s2 =	simm.s32 @!p0 $0x1C01  }
0x11a: {  	[timem:s3], [sflag:s2] =	dma.local @!p0 [hbm:s0], s1  }
0x11b: {  	s0 =	simm.s32 @!p0 $0x1  }
0x11c: {  	_ =	swait.ge @!p0 [sflag:s0], s1  }
0x11d: {  	s1 =	ssub.s32 @!p0 $0x0, s1;
	[sflag:s0] =	ssyncset.done @!p0 $0x0  }
0x11e: {  	[sflag:s0] =	ssyncadd.s32 @!p0 s1  }
0x11f: {  	[bflag:$0x3] =	sbarrier.arrive $0xFFFF  }
0x120: {  	_ =	shalt  }

</sc_bundles>
